<compile_context>
chip_gen: v7x
topology: tpu7x:2x2x1
jax: 0.10.2.dev20260603
libtpu: 0.0.44.dev20260713+nightly
codegen_flags: <defaults>
</compile_context>

<pallas_src>
import functools

import jax
import jax.numpy as jnp
from jax import lax
from jax.experimental import pallas as pl
from jax.experimental.pallas import tpu as pltpu
from jax.experimental.pallas import tpu_sc as plsc

D = 128
S = 2048
B = 4
NC = 2
NS = 16
NW = NC * NS
PW = S // NW
LANES = 16
VPR = D // LANES


def _emb_body(x_hbm, tok_hbm, pos_hbm, out_hbm,
              idx_v, rows_v, pos_v, sem_p, sem_g, sem_s):
    wid = lax.axis_index("s") * NC + lax.axis_index("c")
    base = wid * PW
    idx_cps = [
        pltpu.async_copy(x_hbm.at[b, pl.ds(base, PW)], idx_v.at[b],
                         sem_s.at[b])
        for b in range(B)
    ]
    cp_pos = pltpu.async_copy(pos_hbm.at[pl.ds(base, PW)], pos_v, sem_p)
    gathers = []
    for b in range(B):
        idx_cps[b].wait()
        gathers.append(
            pltpu.async_copy(tok_hbm.at[idx_v.at[b]], rows_v.at[b],
                             sem_g.at[b]))
    cp_pos.wait()

    def add_span(b, lo, n):
        @plsc.parallel_loop(0, n, step=1, unroll=1)
        def add_rows(i):
            r = lo + i
            for j in range(VPR):
                sl = pl.ds(j * LANES, LANES)
                plsc.addupdate(rows_v.at[b, r, sl], pos_v[r, sl])

    stores = []
    for b in range(B):
        gathers[b].wait()
        if b < B - 1:
            add_span(b, 0, PW)
            stores.append(
                pltpu.async_copy(rows_v.at[b],
                                 out_hbm.at[b, pl.ds(base, PW)],
                                 sem_s.at[b]))
        else:
            h = PW // 2
            add_span(b, 0, h)
            stores.append(
                pltpu.async_copy(rows_v.at[b, pl.ds(0, h)],
                                 out_hbm.at[b, pl.ds(base, h)],
                                 sem_s.at[b]))
            add_span(b, h, h)
            stores.append(
                pltpu.async_copy(rows_v.at[b, pl.ds(h, h)],
                                 out_hbm.at[b, pl.ds(base + h, h)],
                                 sem_p))
    for cp in stores:
        cp.wait()


@jax.jit
def kernel(x, token_table, pos_table):
    mesh = plsc.VectorSubcoreMesh(core_axis_name="c", subcore_axis_name="s")
    run = functools.partial(
        pl.kernel,
        mesh=mesh,
        out_type=jax.ShapeDtypeStruct((B, S, D), jnp.float32),
        scratch_types=[
            pltpu.VMEM((B, PW), jnp.int32),
            pltpu.VMEM((B, PW, D), jnp.float32),
            pltpu.VMEM((PW, D), jnp.float32),
            pltpu.SemaphoreType.DMA,
            pltpu.SemaphoreType.DMA((B,)),
            pltpu.SemaphoreType.DMA((B,)),
        ],
    )(_emb_body)
    return run(x.astype(jnp.int32), token_table, pos_table)

# --- scband reference (transcript-rebuilt; emitter-appended) ---
"""Pipeline reference for scband-gptembeddings-70205535420567 (READ-ONLY COPY).

The authoritative reference and input builder live on the scoring server;
editing this copy changes nothing except your own understanding.
"""

import jax, jax.numpy as jnp
import numpy as np

VOCAB_SIZE = 100000
EMBED_DIM = 128
SEQ_LEN = 2048
BATCH = 4

def setup_inputs(seed: int = 0) -> dict:
    key = jax.random.key(seed)
    k1, k2, k3 = jax.random.split(key, 3)
    x = jax.random.randint(k1, (BATCH, SEQ_LEN), 0, VOCAB_SIZE, dtype=jnp.int64 if jax.config.read('jax_enable_x64') else jnp.int32)
    token_table = jax.random.normal(k2, (VOCAB_SIZE, EMBED_DIM), dtype=jnp.float32)
    pos_table = jax.random.normal(k3, (SEQ_LEN, EMBED_DIM), dtype=jnp.float32)
    return {"x": x, "token_table": token_table, "pos_table": pos_table}

def reference(x, token_table, pos_table):
    batch_size, seq_len = x.shape
    positions = jnp.arange(seq_len)[None, :]  # [1, S]
    token_emb = jnp.take(token_table, x, axis=0)        # [B, S, D]
    pos_emb = jnp.take(pos_table, positions, axis=0)    # [1, S, D]
    return token_emb + pos_emb

if __name__ == "__main__":
    import jax
    _d = setup_inputs()
    print(jax.jit(kernel)(*tuple(_d.values())))

</pallas_src>

<mosaic_0001>
#map = affine_map<(d0, d1) -> (0, 0)>
#map1 = affine_map<(d0, d1) -> (0, 0, 0)>
module attributes {stable_mosaic.version = 14 : i64} {
  func.func @_emb_body(%arg0: i32, %arg1: i32, %arg2: memref<4x2048xi32, #tpu.memory_space<hbm>>, %arg3: memref<100000x128xf32, #tpu.memory_space<hbm>>, %arg4: memref<2048x128xf32, #tpu.memory_space<hbm>>, %arg5: memref<4x2048x128xf32, #tpu.memory_space<hbm>>, %arg6: memref<4x64xi32, #tpu.memory_space<vmem>>, %arg7: memref<4x64x128xf32, #tpu.memory_space<vmem>>, %arg8: memref<64x128xf32, #tpu.memory_space<vmem>>, %arg9: memref<!tpu.dma_semaphore, #tpu.memory_space<semaphore_mem>>, %arg10: memref<4x!tpu.dma_semaphore, #tpu.memory_space<semaphore_mem>>, %arg11: memref<4x!tpu.dma_semaphore, #tpu.memory_space<semaphore_mem>>) attributes {dimension_semantics = [#tpu.dimension_semantics<core_parallel>, #tpu.dimension_semantics<subcore_parallel>], iteration_bounds = array<i64: 2, 16>, scalar_prefetch = 0 : i64, scratch_operands = 6 : i64, tpu.core_type = #tpu.core_type<sc_vector_subcore>, window_params = [{transform_indices = #map}, {transform_indices = #map}, {transform_indices = #map}, {transform_indices = #map1}]} {
    %mul3A = arith.constant 2 : i32
    %mul3A_0 = arith.muli %arg1, %mul3A : i32
    %add3A = arith.addi %mul3A_0, %arg0 : i32
    %mul3A_1 = arith.constant 64 : i32
    %mul3A_2 = arith.muli %add3A, %mul3A_1 : i32
    %dma_start3A = arith.constant 0 : i32
    %dma_start3A_3 = arith.constant 0 : i32
    %dma_start3A_4 = arith.constant 0 : i32
    %dma_start3A_5 = arith.constant 0 : i32
    %dma_start3A_6 = tpu.memref_slice %arg6[%dma_start3A_3, %dma_start3A_5] : memref<4x64xi32, #tpu.memory_space<vmem>> -> memref<1x64xi32, #tpu.memory_space<vmem>>
    %dma_start3A_7 = tpu.memref_squeeze %dma_start3A_6 : memref<1x64xi32, #tpu.memory_space<vmem>> -> memref<64xi32, #tpu.memory_space<vmem>>
    %dma_start3A_8 = tpu.memref_slice %arg2[%dma_start3A, %mul3A_2] : memref<4x2048xi32, #tpu.memory_space<hbm>> -> memref<1x64xi32, #tpu.memory_space<hbm>>
    %dma_start3A_9 = tpu.memref_squeeze %dma_start3A_8 : memref<1x64xi32, #tpu.memory_space<hbm>> -> memref<64xi32, #tpu.memory_space<hbm>>
    %dma_start3A_10 = tpu.memref_slice %arg11[%dma_start3A_4] : memref<4x!tpu.dma_semaphore, #tpu.memory_space<semaphore_mem>> -> memref<1x!tpu.dma_semaphore, #tpu.memory_space<semaphore_mem>>
    %dma_start3A_11 = tpu.memref_squeeze %dma_start3A_10 : memref<1x!tpu.dma_semaphore, #tpu.memory_space<semaphore_mem>> -> memref<!tpu.dma_semaphore, #tpu.memory_space<semaphore_mem>>
    %dma_start3A_12 = arith.constant 0 : i32
    %dma_start3A_13 = tpu.memref_slice %arg6[%dma_start3A_3, %dma_start3A_12] : memref<4x64xi32, #tpu.memory_space<vmem>> -> memref<1x64xi32, #tpu.memory_space<vmem>>
    %dma_start3A_14 = tpu.memref_squeeze %dma_start3A_13 : memref<1x64xi32, #tpu.memory_space<vmem>> -> memref<64xi32, #tpu.memory_space<vmem>>
    %dma_start3A_15 = tpu.memref_slice %arg2[%dma_start3A, %mul3A_2] : memref<4x2048xi32, #tpu.memory_space<hbm>> -> memref<1x64xi32, #tpu.memory_space<hbm>>
    %dma_start3A_16 = tpu.memref_squeeze %dma_start3A_15 : memref<1x64xi32, #tpu.memory_space<hbm>> -> memref<64xi32, #tpu.memory_space<hbm>>
    tpu.enqueue_dma source(%dma_start3A_16 : memref<64xi32, #tpu.memory_space<hbm>>) target(%dma_start3A_14 : memref<64xi32, #tpu.memory_space<vmem>>) target_semaphore(%dma_start3A_11 : memref<!tpu.dma_semaphore, #tpu.memory_space<semaphore_mem>>)
    %dma_start3A_17 = arith.constant 1 : i32
    %dma_start3A_18 = arith.constant 1 : i32
    %dma_start3A_19 = arith.constant 1 : i32
    %dma_start3A_20 = arith.constant 0 : i32
    %dma_start3A_21 = tpu.memref_slice %arg6[%dma_start3A_18, %dma_start3A_20] : memref<4x64xi32, #tpu.memory_space<vmem>> -> memref<1x64xi32, #tpu.memory_space<vmem>>
    %dma_start3A_22 = tpu.memref_squeeze %dma_start3A_21 : memref<1x64xi32, #tpu.memory_space<vmem>> -> memref<64xi32, #tpu.memory_space<vmem>>
    %dma_start3A_23 = tpu.memref_slice %arg2[%dma_start3A_17, %mul3A_2] : memref<4x2048xi32, #tpu.memory_space<hbm>> -> memref<1x64xi32, #tpu.memory_space<hbm>>
    %dma_start3A_24 = tpu.memref_squeeze %dma_start3A_23 : memref<1x64xi32, #tpu.memory_space<hbm>> -> memref<64xi32, #tpu.memory_space<hbm>>
    %dma_start3A_25 = tpu.memref_slice %arg11[%dma_start3A_19] : memref<4x!tpu.dma_semaphore, #tpu.memory_space<semaphore_mem>> -> memref<1x!tpu.dma_semaphore, #tpu.memory_space<semaphore_mem>>
    %dma_start3A_26 = tpu.memref_squeeze %dma_start3A_25 : memref<1x!tpu.dma_semaphore, #tpu.memory_space<semaphore_mem>> -> memref<!tpu.dma_semaphore, #tpu.memory_space<semaphore_mem>>
    %dma_start3A_27 = arith.constant 0 : i32
    %dma_start3A_28 = tpu.memref_slice %arg6[%dma_start3A_18, %dma_start3A_27] : memref<4x64xi32, #tpu.memory_space<vmem>> -> memref<1x64xi32, #tpu.memory_space<vmem>>
    %dma_start3A_29 = tpu.memref_squeeze %dma_start3A_28 : memref<1x64xi32, #tpu.memory_space<vmem>> -> memref<64xi32, #tpu.memory_space<vmem>>
    %dma_start3A_30 = tpu.memref_slice %arg2[%dma_start3A_17, %mul3A_2] : memref<4x2048xi32, #tpu.memory_space<hbm>> -> memref<1x64xi32, #tpu.memory_space<hbm>>
    %dma_start3A_31 = tpu.memref_squeeze %dma_start3A_30 : memref<1x64xi32, #tpu.memory_space<hbm>> -> memref<64xi32, #tpu.memory_space<hbm>>
    tpu.enqueue_dma source(%dma_start3A_31 : memref<64xi32, #tpu.memory_space<hbm>>) target(%dma_start3A_29 : memref<64xi32, #tpu.memory_space<vmem>>) target_semaphore(%dma_start3A_26 : memref<!tpu.dma_semaphore, #tpu.memory_space<semaphore_mem>>)
    %dma_start3A_32 = arith.constant 2 : i32
    %dma_start3A_33 = arith.constant 2 : i32
    %dma_start3A_34 = arith.constant 2 : i32
    %dma_start3A_35 = arith.constant 0 : i32
    %dma_start3A_36 = tpu.memref_slice %arg6[%dma_start3A_33, %dma_start3A_35] : memref<4x64xi32, #tpu.memory_space<vmem>> -> memref<1x64xi32, #tpu.memory_space<vmem>>
    %dma_start3A_37 = tpu.memref_squeeze %dma_start3A_36 : memref<1x64xi32, #tpu.memory_space<vmem>> -> memref<64xi32, #tpu.memory_space<vmem>>
    %dma_start3A_38 = tpu.memref_slice %arg2[%dma_start3A_32, %mul3A_2] : memref<4x2048xi32, #tpu.memory_space<hbm>> -> memref<1x64xi32, #tpu.memory_space<hbm>>
    %dma_start3A_39 = tpu.memref_squeeze %dma_start3A_38 : memref<1x64xi32, #tpu.memory_space<hbm>> -> memref<64xi32, #tpu.memory_space<hbm>>
    %dma_start3A_40 = tpu.memref_slice %arg11[%dma_start3A_34] : memref<4x!tpu.dma_semaphore, #tpu.memory_space<semaphore_mem>> -> memref<1x!tpu.dma_semaphore, #tpu.memory_space<semaphore_mem>>
    %dma_start3A_41 = tpu.memref_squeeze %dma_start3A_40 : memref<1x!tpu.dma_semaphore, #tpu.memory_space<semaphore_mem>> -> memref<!tpu.dma_semaphore, #tpu.memory_space<semaphore_mem>>
    %dma_start3A_42 = arith.constant 0 : i32
    %dma_start3A_43 = tpu.memref_slice %arg6[%dma_start3A_33, %dma_start3A_42] : memref<4x64xi32, #tpu.memory_space<vmem>> -> memref<1x64xi32, #tpu.memory_space<vmem>>
    %dma_start3A_44 = tpu.memref_squeeze %dma_start3A_43 : memref<1x64xi32, #tpu.memory_space<vmem>> -> memref<64xi32, #tpu.memory_space<vmem>>
    %dma_start3A_45 = tpu.memref_slice %arg2[%dma_start3A_32, %mul3A_2] : memref<4x2048xi32, #tpu.memory_space<hbm>> -> memref<1x64xi32, #tpu.memory_space<hbm>>
    %dma_start3A_46 = tpu.memref_squeeze %dma_start3A_45 : memref<1x64xi32, #tpu.memory_space<hbm>> -> memref<64xi32, #tpu.memory_space<hbm>>
    tpu.enqueue_dma source(%dma_start3A_46 : memref<64xi32, #tpu.memory_space<hbm>>) target(%dma_start3A_44 : memref<64xi32, #tpu.memory_space<vmem>>) target_semaphore(%dma_start3A_41 : memref<!tpu.dma_semaphore, #tpu.memory_space<semaphore_mem>>)
    %dma_start3A_47 = arith.constant 3 : i32
    %dma_start3A_48 = arith.constant 3 : i32
    %dma_start3A_49 = arith.constant 3 : i32
    %dma_start3A_50 = arith.constant 0 : i32
    %dma_start3A_51 = tpu.memref_slice %arg6[%dma_start3A_48, %dma_start3A_50] : memref<4x64xi32, #tpu.memory_space<vmem>> -> memref<1x64xi32, #tpu.memory_space<vmem>>
    %dma_start3A_52 = tpu.memref_squeeze %dma_start3A_51 : memref<1x64xi32, #tpu.memory_space<vmem>> -> memref<64xi32, #tpu.memory_space<vmem>>
    %dma_start3A_53 = tpu.memref_slice %arg2[%dma_start3A_47, %mul3A_2] : memref<4x2048xi32, #tpu.memory_space<hbm>> -> memref<1x64xi32, #tpu.memory_space<hbm>>
    %dma_start3A_54 = tpu.memref_squeeze %dma_start3A_53 : memref<1x64xi32, #tpu.memory_space<hbm>> -> memref<64xi32, #tpu.memory_space<hbm>>
    %dma_start3A_55 = tpu.memref_slice %arg11[%dma_start3A_49] : memref<4x!tpu.dma_semaphore, #tpu.memory_space<semaphore_mem>> -> memref<1x!tpu.dma_semaphore, #tpu.memory_space<semaphore_mem>>
    %dma_start3A_56 = tpu.memref_squeeze %dma_start3A_55 : memref<1x!tpu.dma_semaphore, #tpu.memory_space<semaphore_mem>> -> memref<!tpu.dma_semaphore, #tpu.memory_space<semaphore_mem>>
    %dma_start3A_57 = arith.constant 0 : i32
    %dma_start3A_58 = tpu.memref_slice %arg6[%dma_start3A_48, %dma_start3A_57] : memref<4x64xi32, #tpu.memory_space<vmem>> -> memref<1x64xi32, #tpu.memory_space<vmem>>
    %dma_start3A_59 = tpu.memref_squeeze %dma_start3A_58 : memref<1x64xi32, #tpu.memory_space<vmem>> -> memref<64xi32, #tpu.memory_space<vmem>>
    %dma_start3A_60 = tpu.memref_slice %arg2[%dma_start3A_47, %mul3A_2] : memref<4x2048xi32, #tpu.memory_space<hbm>> -> memref<1x64xi32, #tpu.memory_space<hbm>>
    %dma_start3A_61 = tpu.memref_squeeze %dma_start3A_60 : memref<1x64xi32, #tpu.memory_space<hbm>> -> memref<64xi32, #tpu.memory_space<hbm>>
    tpu.enqueue_dma source(%dma_start3A_61 : memref<64xi32, #tpu.memory_space<hbm>>) target(%dma_start3A_59 : memref<64xi32, #tpu.memory_space<vmem>>) target_semaphore(%dma_start3A_56 : memref<!tpu.dma_semaphore, #tpu.memory_space<semaphore_mem>>)
    %dma_start3A_62 = arith.constant 0 : i32
    %dma_start3A_63 = tpu.memref_slice %arg4[%mul3A_2, %dma_start3A_62] : memref<2048x128xf32, #tpu.memory_space<hbm>> -> memref<64x128xf32, #tpu.memory_space<hbm>>
    %dma_start3A_64 = arith.constant 0 : i32
    %dma_start3A_65 = tpu.memref_slice %arg4[%mul3A_2, %dma_start3A_64] : memref<2048x128xf32, #tpu.memory_space<hbm>> -> memref<64x128xf32, #tpu.memory_space<hbm>>
    tpu.enqueue_dma source(%dma_start3A_65 : memref<64x128xf32, #tpu.memory_space<hbm>>) target(%arg8 : memref<64x128xf32, #tpu.memory_space<vmem>>) target_semaphore(%arg9 : memref<!tpu.dma_semaphore, #tpu.memory_space<semaphore_mem>>)
    %dma_wait3A = arith.constant 0 : i32
    %dma_wait3A_66 = arith.constant 0 : i32
    %dma_wait3A_67 = arith.constant 0 : i32
    %dma_wait3A_68 = arith.constant 0 : i32
    %dma_wait3A_69 = tpu.memref_slice %arg6[%dma_wait3A_66, %dma_wait3A_68] : memref<4x64xi32, #tpu.memory_space<vmem>> -> memref<1x64xi32, #tpu.memory_space<vmem>>
    %dma_wait3A_70 = tpu.memref_squeeze %dma_wait3A_69 : memref<1x64xi32, #tpu.memory_space<vmem>> -> memref<64xi32, #tpu.memory_space<vmem>>
    %dma_wait3A_71 = tpu.memref_slice %arg2[%dma_wait3A, %mul3A_2] : memref<4x2048xi32, #tpu.memory_space<hbm>> -> memref<1x64xi32, #tpu.memory_space<hbm>>
    %dma_wait3A_72 = tpu.memref_squeeze %dma_wait3A_71 : memref<1x64xi32, #tpu.memory_space<hbm>> -> memref<64xi32, #tpu.memory_space<hbm>>
    %dma_wait3A_73 = tpu.memref_slice %arg11[%dma_wait3A_67] : memref<4x!tpu.dma_semaphore, #tpu.memory_space<semaphore_mem>> -> memref<1x!tpu.dma_semaphore, #tpu.memory_space<semaphore_mem>>
    %dma_wait3A_74 = tpu.memref_squeeze %dma_wait3A_73 : memref<1x!tpu.dma_semaphore, #tpu.memory_space<semaphore_mem>> -> memref<!tpu.dma_semaphore, #tpu.memory_space<semaphore_mem>>
    %dma_wait3A_75 = arith.constant 0 : i32
    %dma_wait3A_76 = tpu.memref_slice %arg6[%dma_wait3A_66, %dma_wait3A_75] : memref<4x64xi32, #tpu.memory_space<vmem>> -> memref<1x64xi32, #tpu.memory_space<vmem>>
    %dma_wait3A_77 = tpu.memref_squeeze %dma_wait3A_76 : memref<1x64xi32, #tpu.memory_space<vmem>> -> memref<64xi32, #tpu.memory_space<vmem>>
    %dma_wait3A_78 = tpu.memref_slice %arg2[%dma_wait3A, %mul3A_2] : memref<4x2048xi32, #tpu.memory_space<hbm>> -> memref<1x64xi32, #tpu.memory_space<hbm>>
    %dma_wait3A_79 = tpu.memref_squeeze %dma_wait3A_78 : memref<1x64xi32, #tpu.memory_space<hbm>> -> memref<64xi32, #tpu.memory_space<hbm>>
    tpu.wait_dma2 semaphore(%dma_wait3A_74 : memref<!tpu.dma_semaphore, #tpu.memory_space<semaphore_mem>>) src(%dma_wait3A_79 : memref<64xi32, #tpu.memory_space<hbm>>) dst(%dma_wait3A_77 : memref<64xi32, #tpu.memory_space<vmem>>)
    %dma_start3A_80 = arith.constant 0 : i32
    %dma_start3A_81 = arith.constant 0 : i32
    %dma_start3A_82 = arith.constant 0 : i32
    %dma_start3A_83 = arith.constant 0 : i32
    %dma_start3A_84 = arith.constant 0 : i32
    %dma_start3A_85 = tpu.memref_slice %arg7[%dma_start3A_81, %dma_start3A_83, %dma_start3A_84] : memref<4x64x128xf32, #tpu.memory_space<vmem>> -> memref<1x64x128xf32, #tpu.memory_space<vmem>>
    %dma_start3A_86 = tpu.memref_squeeze %dma_start3A_85 : memref<1x64x128xf32, #tpu.memory_space<vmem>> -> memref<64x128xf32, #tpu.memory_space<vmem>>
    %dma_start3A_87 = arith.constant 0 : i32
    %dma_start3A_88 = tpu.memref_slice %arg6[%dma_start3A_80, %dma_start3A_87] : memref<4x64xi32, #tpu.memory_space<vmem>> -> memref<1x64xi32, #tpu.memory_space<vmem>>
    %dma_start3A_89 = tpu.memref_squeeze %dma_start3A_88 : memref<1x64xi32, #tpu.memory_space<vmem>> -> memref<64xi32, #tpu.memory_space<vmem>>
    %dma_start3A_90 = arith.constant 0 : i32
    %dma_start3A_91 = arith.constant 0 : i32
    %dma_start3A_92 = tpu.memref_slice %arg3[%dma_start3A_90, %dma_start3A_91] : memref<100000x128xf32, #tpu.memory_space<hbm>> -> memref<100000x128xf32, #tpu.memory_space<hbm>>
    %dma_start3A_93 = tpu.memref_slice %arg10[%dma_start3A_82] : memref<4x!tpu.dma_semaphore, #tpu.memory_space<semaphore_mem>> -> memref<1x!tpu.dma_semaphore, #tpu.memory_space<semaphore_mem>>
    %dma_start3A_94 = tpu.memref_squeeze %dma_start3A_93 : memref<1x!tpu.dma_semaphore, #tpu.memory_space<semaphore_mem>> -> memref<!tpu.dma_semaphore, #tpu.memory_space<semaphore_mem>>
    tpu.enqueue_indirect_dma source(%dma_start3A_92 : memref<100000x128xf32, #tpu.memory_space<hbm>>) target(%dma_start3A_86 : memref<64x128xf32, #tpu.memory_space<vmem>>) offsets(%dma_start3A_89 : memref<64xi32, #tpu.memory_space<vmem>>) semaphore(%dma_start3A_94 : memref<!tpu.dma_semaphore, #tpu.memory_space<semaphore_mem>>)
    %dma_wait3A_95 = arith.constant 1 : i32
    %dma_wait3A_96 = arith.constant 1 : i32
    %dma_wait3A_97 = arith.constant 1 : i32
    %dma_wait3A_98 = arith.constant 0 : i32
    %dma_wait3A_99 = tpu.memref_slice %arg6[%dma_wait3A_96, %dma_wait3A_98] : memref<4x64xi32, #tpu.memory_space<vmem>> -> memref<1x64xi32, #tpu.memory_space<vmem>>
    %dma_wait3A_100 = tpu.memref_squeeze %dma_wait3A_99 : memref<1x64xi32, #tpu.memory_space<vmem>> -> memref<64xi32, #tpu.memory_space<vmem>>
    %dma_wait3A_101 = tpu.memref_slice %arg2[%dma_wait3A_95, %mul3A_2] : memref<4x2048xi32, #tpu.memory_space<hbm>> -> memref<1x64xi32, #tpu.memory_space<hbm>>
    %dma_wait3A_102 = tpu.memref_squeeze %dma_wait3A_101 : memref<1x64xi32, #tpu.memory_space<hbm>> -> memref<64xi32, #tpu.memory_space<hbm>>
    %dma_wait3A_103 = tpu.memref_slice %arg11[%dma_wait3A_97] : memref<4x!tpu.dma_semaphore, #tpu.memory_space<semaphore_mem>> -> memref<1x!tpu.dma_semaphore, #tpu.memory_space<semaphore_mem>>
    %dma_wait3A_104 = tpu.memref_squeeze %dma_wait3A_103 : memref<1x!tpu.dma_semaphore, #tpu.memory_space<semaphore_mem>> -> memref<!tpu.dma_semaphore, #tpu.memory_space<semaphore_mem>>
    %dma_wait3A_105 = arith.constant 0 : i32
    %dma_wait3A_106 = tpu.memref_slice %arg6[%dma_wait3A_96, %dma_wait3A_105] : memref<4x64xi32, #tpu.memory_space<vmem>> -> memref<1x64xi32, #tpu.memory_space<vmem>>
    %dma_wait3A_107 = tpu.memref_squeeze %dma_wait3A_106 : memref<1x64xi32, #tpu.memory_space<vmem>> -> memref<64xi32, #tpu.memory_space<vmem>>
    %dma_wait3A_108 = tpu.memref_slice %arg2[%dma_wait3A_95, %mul3A_2] : memref<4x2048xi32, #tpu.memory_space<hbm>> -> memref<1x64xi32, #tpu.memory_space<hbm>>
    %dma_wait3A_109 = tpu.memref_squeeze %dma_wait3A_108 : memref<1x64xi32, #tpu.memory_space<hbm>> -> memref<64xi32, #tpu.memory_space<hbm>>
    tpu.wait_dma2 semaphore(%dma_wait3A_104 : memref<!tpu.dma_semaphore, #tpu.memory_space<semaphore_mem>>) src(%dma_wait3A_109 : memref<64xi32, #tpu.memory_space<hbm>>) dst(%dma_wait3A_107 : memref<64xi32, #tpu.memory_space<vmem>>)
    %dma_start3A_110 = arith.constant 1 : i32
    %dma_start3A_111 = arith.constant 1 : i32
    %dma_start3A_112 = arith.constant 1 : i32
    %dma_start3A_113 = arith.constant 0 : i32
    %dma_start3A_114 = arith.constant 0 : i32
    %dma_start3A_115 = tpu.memref_slice %arg7[%dma_start3A_111, %dma_start3A_113, %dma_start3A_114] : memref<4x64x128xf32, #tpu.memory_space<vmem>> -> memref<1x64x128xf32, #tpu.memory_space<vmem>>
    %dma_start3A_116 = tpu.memref_squeeze %dma_start3A_115 : memref<1x64x128xf32, #tpu.memory_space<vmem>> -> memref<64x128xf32, #tpu.memory_space<vmem>>
    %dma_start3A_117 = arith.constant 0 : i32
    %dma_start3A_118 = tpu.memref_slice %arg6[%dma_start3A_110, %dma_start3A_117] : memref<4x64xi32, #tpu.memory_space<vmem>> -> memref<1x64xi32, #tpu.memory_space<vmem>>
    %dma_start3A_119 = tpu.memref_squeeze %dma_start3A_118 : memref<1x64xi32, #tpu.memory_space<vmem>> -> memref<64xi32, #tpu.memory_space<vmem>>
    %dma_start3A_120 = arith.constant 0 : i32
    %dma_start3A_121 = arith.constant 0 : i32
    %dma_start3A_122 = tpu.memref_slice %arg3[%dma_start3A_120, %dma_start3A_121] : memref<100000x128xf32, #tpu.memory_space<hbm>> -> memref<100000x128xf32, #tpu.memory_space<hbm>>
    %dma_start3A_123 = tpu.memref_slice %arg10[%dma_start3A_112] : memref<4x!tpu.dma_semaphore, #tpu.memory_space<semaphore_mem>> -> memref<1x!tpu.dma_semaphore, #tpu.memory_space<semaphore_mem>>
    %dma_start3A_124 = tpu.memref_squeeze %dma_start3A_123 : memref<1x!tpu.dma_semaphore, #tpu.memory_space<semaphore_mem>> -> memref<!tpu.dma_semaphore, #tpu.memory_space<semaphore_mem>>
    tpu.enqueue_indirect_dma source(%dma_start3A_122 : memref<100000x128xf32, #tpu.memory_space<hbm>>) target(%dma_start3A_116 : memref<64x128xf32, #tpu.memory_space<vmem>>) offsets(%dma_start3A_119 : memref<64xi32, #tpu.memory_space<vmem>>) semaphore(%dma_start3A_124 : memref<!tpu.dma_semaphore, #tpu.memory_space<semaphore_mem>>)
    %dma_wait3A_125 = arith.constant 2 : i32
    %dma_wait3A_126 = arith.constant 2 : i32
    %dma_wait3A_127 = arith.constant 2 : i32
    %dma_wait3A_128 = arith.constant 0 : i32
    %dma_wait3A_129 = tpu.memref_slice %arg6[%dma_wait3A_126, %dma_wait3A_128] : memref<4x64xi32, #tpu.memory_space<vmem>> -> memref<1x64xi32, #tpu.memory_space<vmem>>
    %dma_wait3A_130 = tpu.memref_squeeze %dma_wait3A_129 : memref<1x64xi32, #tpu.memory_space<vmem>> -> memref<64xi32, #tpu.memory_space<vmem>>
    %dma_wait3A_131 = tpu.memref_slice %arg2[%dma_wait3A_125, %mul3A_2] : memref<4x2048xi32, #tpu.memory_space<hbm>> -> memref<1x64xi32, #tpu.memory_space<hbm>>
    %dma_wait3A_132 = tpu.memref_squeeze %dma_wait3A_131 : memref<1x64xi32, #tpu.memory_space<hbm>> -> memref<64xi32, #tpu.memory_space<hbm>>
    %dma_wait3A_133 = tpu.memref_slice %arg11[%dma_wait3A_127] : memref<4x!tpu.dma_semaphore, #tpu.memory_space<semaphore_mem>> -> memref<1x!tpu.dma_semaphore, #tpu.memory_space<semaphore_mem>>
    %dma_wait3A_134 = tpu.memref_squeeze %dma_wait3A_133 : memref<1x!tpu.dma_semaphore, #tpu.memory_space<semaphore_mem>> -> memref<!tpu.dma_semaphore, #tpu.memory_space<semaphore_mem>>
    %dma_wait3A_135 = arith.constant 0 : i32
    %dma_wait3A_136 = tpu.memref_slice %arg6[%dma_wait3A_126, %dma_wait3A_135] : memref<4x64xi32, #tpu.memory_space<vmem>> -> memref<1x64xi32, #tpu.memory_space<vmem>>
    %dma_wait3A_137 = tpu.memref_squeeze %dma_wait3A_136 : memref<1x64xi32, #tpu.memory_space<vmem>> -> memref<64xi32, #tpu.memory_space<vmem>>
    %dma_wait3A_138 = tpu.memref_slice %arg2[%dma_wait3A_125, %mul3A_2] : memref<4x2048xi32, #tpu.memory_space<hbm>> -> memref<1x64xi32, #tpu.memory_space<hbm>>
    %dma_wait3A_139 = tpu.memref_squeeze %dma_wait3A_138 : memref<1x64xi32, #tpu.memory_space<hbm>> -> memref<64xi32, #tpu.memory_space<hbm>>
    tpu.wait_dma2 semaphore(%dma_wait3A_134 : memref<!tpu.dma_semaphore, #tpu.memory_space<semaphore_mem>>) src(%dma_wait3A_139 : memref<64xi32, #tpu.memory_space<hbm>>) dst(%dma_wait3A_137 : memref<64xi32, #tpu.memory_space<vmem>>)
    %dma_start3A_140 = arith.constant 2 : i32
    %dma_start3A_141 = arith.constant 2 : i32
    %dma_start3A_142 = arith.constant 2 : i32
    %dma_start3A_143 = arith.constant 0 : i32
    %dma_start3A_144 = arith.constant 0 : i32
    %dma_start3A_145 = tpu.memref_slice %arg7[%dma_start3A_141, %dma_start3A_143, %dma_start3A_144] : memref<4x64x128xf32, #tpu.memory_space<vmem>> -> memref<1x64x128xf32, #tpu.memory_space<vmem>>
    %dma_start3A_146 = tpu.memref_squeeze %dma_start3A_145 : memref<1x64x128xf32, #tpu.memory_space<vmem>> -> memref<64x128xf32, #tpu.memory_space<vmem>>
    %dma_start3A_147 = arith.constant 0 : i32
    %dma_start3A_148 = tpu.memref_slice %arg6[%dma_start3A_140, %dma_start3A_147] : memref<4x64xi32, #tpu.memory_space<vmem>> -> memref<1x64xi32, #tpu.memory_space<vmem>>
    %dma_start3A_149 = tpu.memref_squeeze %dma_start3A_148 : memref<1x64xi32, #tpu.memory_space<vmem>> -> memref<64xi32, #tpu.memory_space<vmem>>
    %dma_start3A_150 = arith.constant 0 : i32
    %dma_start3A_151 = arith.constant 0 : i32
    %dma_start3A_152 = tpu.memref_slice %arg3[%dma_start3A_150, %dma_start3A_151] : memref<100000x128xf32, #tpu.memory_space<hbm>> -> memref<100000x128xf32, #tpu.memory_space<hbm>>
    %dma_start3A_153 = tpu.memref_slice %arg10[%dma_start3A_142] : memref<4x!tpu.dma_semaphore, #tpu.memory_space<semaphore_mem>> -> memref<1x!tpu.dma_semaphore, #tpu.memory_space<semaphore_mem>>
    %dma_start3A_154 = tpu.memref_squeeze %dma_start3A_153 : memref<1x!tpu.dma_semaphore, #tpu.memory_space<semaphore_mem>> -> memref<!tpu.dma_semaphore, #tpu.memory_space<semaphore_mem>>
    tpu.enqueue_indirect_dma source(%dma_start3A_152 : memref<100000x128xf32, #tpu.memory_space<hbm>>) target(%dma_start3A_146 : memref<64x128xf32, #tpu.memory_space<vmem>>) offsets(%dma_start3A_149 : memref<64xi32, #tpu.memory_space<vmem>>) semaphore(%dma_start3A_154 : memref<!tpu.dma_semaphore, #tpu.memory_space<semaphore_mem>>)
    %dma_wait3A_155 = arith.constant 3 : i32
    %dma_wait3A_156 = arith.constant 3 : i32
    %dma_wait3A_157 = arith.constant 3 : i32
    %dma_wait3A_158 = arith.constant 0 : i32
    %dma_wait3A_159 = tpu.memref_slice %arg6[%dma_wait3A_156, %dma_wait3A_158] : memref<4x64xi32, #tpu.memory_space<vmem>> -> memref<1x64xi32, #tpu.memory_space<vmem>>
    %dma_wait3A_160 = tpu.memref_squeeze %dma_wait3A_159 : memref<1x64xi32, #tpu.memory_space<vmem>> -> memref<64xi32, #tpu.memory_space<vmem>>
    %dma_wait3A_161 = tpu.memref_slice %arg2[%dma_wait3A_155, %mul3A_2] : memref<4x2048xi32, #tpu.memory_space<hbm>> -> memref<1x64xi32, #tpu.memory_space<hbm>>
    %dma_wait3A_162 = tpu.memref_squeeze %dma_wait3A_161 : memref<1x64xi32, #tpu.memory_space<hbm>> -> memref<64xi32, #tpu.memory_space<hbm>>
    %dma_wait3A_163 = tpu.memref_slice %arg11[%dma_wait3A_157] : memref<4x!tpu.dma_semaphore, #tpu.memory_space<semaphore_mem>> -> memref<1x!tpu.dma_semaphore, #tpu.memory_space<semaphore_mem>>
    %dma_wait3A_164 = tpu.memref_squeeze %dma_wait3A_163 : memref<1x!tpu.dma_semaphore, #tpu.memory_space<semaphore_mem>> -> memref<!tpu.dma_semaphore, #tpu.memory_space<semaphore_mem>>
    %dma_wait3A_165 = arith.constant 0 : i32
    %dma_wait3A_166 = tpu.memref_slice %arg6[%dma_wait3A_156, %dma_wait3A_165] : memref<4x64xi32, #tpu.memory_space<vmem>> -> memref<1x64xi32, #tpu.memory_space<vmem>>
    %dma_wait3A_167 = tpu.memref_squeeze %dma_wait3A_166 : memref<1x64xi32, #tpu.memory_space<vmem>> -> memref<64xi32, #tpu.memory_space<vmem>>
    %dma_wait3A_168 = tpu.memref_slice %arg2[%dma_wait3A_155, %mul3A_2] : memref<4x2048xi32, #tpu.memory_space<hbm>> -> memref<1x64xi32, #tpu.memory_space<hbm>>
    %dma_wait3A_169 = tpu.memref_squeeze %dma_wait3A_168 : memref<1x64xi32, #tpu.memory_space<hbm>> -> memref<64xi32, #tpu.memory_space<hbm>>
    tpu.wait_dma2 semaphore(%dma_wait3A_164 : memref<!tpu.dma_semaphore, #tpu.memory_space<semaphore_mem>>) src(%dma_wait3A_169 : memref<64xi32, #tpu.memory_space<hbm>>) dst(%dma_wait3A_167 : memref<64xi32, #tpu.memory_space<vmem>>)
    %dma_start3A_170 = arith.constant 3 : i32
    %dma_start3A_171 = arith.constant 3 : i32
    %dma_start3A_172 = arith.constant 3 : i32
    %dma_start3A_173 = arith.constant 0 : i32
    %dma_start3A_174 = arith.constant 0 : i32
    %dma_start3A_175 = tpu.memref_slice %arg7[%dma_start3A_171, %dma_start3A_173, %dma_start3A_174] : memref<4x64x128xf32, #tpu.memory_space<vmem>> -> memref<1x64x128xf32, #tpu.memory_space<vmem>>
    %dma_start3A_176 = tpu.memref_squeeze %dma_start3A_175 : memref<1x64x128xf32, #tpu.memory_space<vmem>> -> memref<64x128xf32, #tpu.memory_space<vmem>>
    %dma_start3A_177 = arith.constant 0 : i32
    %dma_start3A_178 = tpu.memref_slice %arg6[%dma_start3A_170, %dma_start3A_177] : memref<4x64xi32, #tpu.memory_space<vmem>> -> memref<1x64xi32, #tpu.memory_space<vmem>>
    %dma_start3A_179 = tpu.memref_squeeze %dma_start3A_178 : memref<1x64xi32, #tpu.memory_space<vmem>> -> memref<64xi32, #tpu.memory_space<vmem>>
    %dma_start3A_180 = arith.constant 0 : i32
    %dma_start3A_181 = arith.constant 0 : i32
    %dma_start3A_182 = tpu.memref_slice %arg3[%dma_start3A_180, %dma_start3A_181] : memref<100000x128xf32, #tpu.memory_space<hbm>> -> memref<100000x128xf32, #tpu.memory_space<hbm>>
    %dma_start3A_183 = tpu.memref_slice %arg10[%dma_start3A_172] : memref<4x!tpu.dma_semaphore, #tpu.memory_space<semaphore_mem>> -> memref<1x!tpu.dma_semaphore, #tpu.memory_space<semaphore_mem>>
    %dma_start3A_184 = tpu.memref_squeeze %dma_start3A_183 : memref<1x!tpu.dma_semaphore, #tpu.memory_space<semaphore_mem>> -> memref<!tpu.dma_semaphore, #tpu.memory_space<semaphore_mem>>
    tpu.enqueue_indirect_dma source(%dma_start3A_182 : memref<100000x128xf32, #tpu.memory_space<hbm>>) target(%dma_start3A_176 : memref<64x128xf32, #tpu.memory_space<vmem>>) offsets(%dma_start3A_179 : memref<64xi32, #tpu.memory_space<vmem>>) semaphore(%dma_start3A_184 : memref<!tpu.dma_semaphore, #tpu.memory_space<semaphore_mem>>)
    %dma_wait3A_185 = arith.constant 0 : i32
    %dma_wait3A_186 = tpu.memref_slice %arg4[%mul3A_2, %dma_wait3A_185] : memref<2048x128xf32, #tpu.memory_space<hbm>> -> memref<64x128xf32, #tpu.memory_space<hbm>>
    %dma_wait3A_187 = arith.constant 0 : i32
    %dma_wait3A_188 = tpu.memref_slice %arg4[%mul3A_2, %dma_wait3A_187] : memref<2048x128xf32, #tpu.memory_space<hbm>> -> memref<64x128xf32, #tpu.memory_space<hbm>>
    tpu.wait_dma2 semaphore(%arg9 : memref<!tpu.dma_semaphore, #tpu.memory_space<semaphore_mem>>) src(%dma_wait3A_188 : memref<64x128xf32, #tpu.memory_space<hbm>>) dst(%arg8 : memref<64x128xf32, #tpu.memory_space<vmem>>)
    %dma_wait3A_189 = arith.constant 0 : i32
    %dma_wait3A_190 = arith.constant 0 : i32
    %dma_wait3A_191 = arith.constant 0 : i32
    %dma_wait3A_192 = arith.constant 0 : i32
    %dma_wait3A_193 = arith.constant 0 : i32
    %dma_wait3A_194 = tpu.memref_slice %arg7[%dma_wait3A_190, %dma_wait3A_192, %dma_wait3A_193] : memref<4x64x128xf32, #tpu.memory_space<vmem>> -> memref<1x64x128xf32, #tpu.memory_space<vmem>>
    %dma_wait3A_195 = tpu.memref_squeeze %dma_wait3A_194 : memref<1x64x128xf32, #tpu.memory_space<vmem>> -> memref<64x128xf32, #tpu.memory_space<vmem>>
    %dma_wait3A_196 = arith.constant 0 : i32
    %dma_wait3A_197 = tpu.memref_slice %arg6[%dma_wait3A_189, %dma_wait3A_196] : memref<4x64xi32, #tpu.memory_space<vmem>> -> memref<1x64xi32, #tpu.memory_space<vmem>>
    %dma_wait3A_198 = tpu.memref_squeeze %dma_wait3A_197 : memref<1x64xi32, #tpu.memory_space<vmem>> -> memref<64xi32, #tpu.memory_space<vmem>>
    %dma_wait3A_199 = arith.constant 0 : i32
    %dma_wait3A_200 = arith.constant 0 : i32
    %dma_wait3A_201 = tpu.memref_slice %arg3[%dma_wait3A_199, %dma_wait3A_200] : memref<100000x128xf32, #tpu.memory_space<hbm>> -> memref<100000x128xf32, #tpu.memory_space<hbm>>
    %dma_wait3A_202 = tpu.memref_slice %arg10[%dma_wait3A_191] : memref<4x!tpu.dma_semaphore, #tpu.memory_space<semaphore_mem>> -> memref<1x!tpu.dma_semaphore, #tpu.memory_space<semaphore_mem>>
    %dma_wait3A_203 = tpu.memref_squeeze %dma_wait3A_202 : memref<1x!tpu.dma_semaphore, #tpu.memory_space<semaphore_mem>> -> memref<!tpu.dma_semaphore, #tpu.memory_space<semaphore_mem>>
    tpu.wait_indirect_dma semaphore(%dma_wait3A_203 : memref<!tpu.dma_semaphore, #tpu.memory_space<semaphore_mem>>) src(%dma_wait3A_201 : memref<100000x128xf32, #tpu.memory_space<hbm>>) dst(%dma_wait3A_195 : memref<64x128xf32, #tpu.memory_space<vmem>>)
    %parallel_loop3A = arith.constant 0 : i32
    %parallel_loop3A_204 = arith.constant 64 : i32
    %parallel_loop3A_205 = arith.constant 1 : i32
    scf.for %parallel_loop3A_449 = %parallel_loop3A to %parallel_loop3A_204 step %parallel_loop3A_205  : i32 {
      %parallel_loop3A_450 = arith.constant 0 : i32
      %parallel_loop3A_451 = arith.addi %parallel_loop3A_450, %parallel_loop3A_449 : i32
      %parallel_loop3A_452 = arith.index_cast %parallel_loop3A_451 : i32 to index
      %parallel_loop3A_453 = arith.constant 0 : index
      %parallel_loop3A_454 = tpu.vector_load %arg8[%parallel_loop3A_452, %parallel_loop3A_453] {strides = array<i32>} : memref<64x128xf32, #tpu.memory_space<vmem>>, vector<1x16xf32>,
      %parallel_loop3A_455 = vector.shape_cast %parallel_loop3A_454 : vector<1x16xf32> to vector<16xf32>
      %parallel_loop3A_456 = arith.constant 0 : i32
      %parallel_loop3A_457 = arith.index_cast %parallel_loop3A_456 : i32 to index
      %parallel_loop3A_458 = arith.index_cast %parallel_loop3A_451 : i32 to index
      %parallel_loop3A_459 = arith.constant 0 : index
      %parallel_loop3A_460 = tpu.vector_load %arg7[%parallel_loop3A_457, %parallel_loop3A_458, %parallel_loop3A_459] {strides = array<i32>} : memref<4x64x128xf32, #tpu.memory_space<vmem>>, vector<1x1x16xf32>,
      %parallel_loop3A_461 = vector.shape_cast %parallel_loop3A_460 : vector<1x1x16xf32> to vector<16xf32>
      %parallel_loop3A_462 = vector.shape_cast %parallel_loop3A_455 : vector<16xf32> to vector<1x1x16xf32>
      tpu.vector_store %arg7[%parallel_loop3A_457, %parallel_loop3A_458, %parallel_loop3A_459], %parallel_loop3A_462 {add = true, strides = array<i32>} : memref<4x64x128xf32, #tpu.memory_space<vmem>>, vector<1x1x16xf32>,
      %parallel_loop3A_463 = arith.index_cast %parallel_loop3A_451 : i32 to index
      %parallel_loop3A_464 = arith.constant 16 : index
      %parallel_loop3A_465 = tpu.vector_load %arg8[%parallel_loop3A_463, %parallel_loop3A_464] {strides = array<i32>} : memref<64x128xf32, #tpu.memory_space<vmem>>, vector<1x16xf32>,
      %parallel_loop3A_466 = vector.shape_cast %parallel_loop3A_465 : vector<1x16xf32> to vector<16xf32>
      %parallel_loop3A_467 = arith.constant 0 : i32
      %parallel_loop3A_468 = arith.index_cast %parallel_loop3A_467 : i32 to index
      %parallel_loop3A_469 = arith.index_cast %parallel_loop3A_451 : i32 to index
      %parallel_loop3A_470 = arith.constant 16 : index
      %parallel_loop3A_471 = tpu.vector_load %arg7[%parallel_loop3A_468, %parallel_loop3A_469, %parallel_loop3A_470] {strides = array<i32>} : memref<4x64x128xf32, #tpu.memory_space<vmem>>, vector<1x1x16xf32>,
      %parallel_loop3A_472 = vector.shape_cast %parallel_loop3A_471 : vector<1x1x16xf32> to vector<16xf32>
      %parallel_loop3A_473 = vector.shape_cast %parallel_loop3A_466 : vector<16xf32> to vector<1x1x16xf32>
      tpu.vector_store %arg7[%parallel_loop3A_468, %parallel_loop3A_469, %parallel_loop3A_470], %parallel_loop3A_473 {add = true, strides = array<i32>} : memref<4x64x128xf32, #tpu.memory_space<vmem>>, vector<1x1x16xf32>,
      %parallel_loop3A_474 = arith.index_cast %parallel_loop3A_451 : i32 to index
      %parallel_loop3A_475 = arith.constant 32 : index
      %parallel_loop3A_476 = tpu.vector_load %arg8[%parallel_loop3A_474, %parallel_loop3A_475] {strides = array<i32>} : memref<64x128xf32, #tpu.memory_space<vmem>>, vector<1x16xf32>,
      %parallel_loop3A_477 = vector.shape_cast %parallel_loop3A_476 : vector<1x16xf32> to vector<16xf32>
      %parallel_loop3A_478 = arith.constant 0 : i32
      %parallel_loop3A_479 = arith.index_cast %parallel_loop3A_478 : i32 to index
      %parallel_loop3A_480 = arith.index_cast %parallel_loop3A_451 : i32 to index
      %parallel_loop3A_481 = arith.constant 32 : index
      %parallel_loop3A_482 = tpu.vector_load %arg7[%parallel_loop3A_479, %parallel_loop3A_480, %parallel_loop3A_481] {strides = array<i32>} : memref<4x64x128xf32, #tpu.memory_space<vmem>>, vector<1x1x16xf32>,
      %parallel_loop3A_483 = vector.shape_cast %parallel_loop3A_482 : vector<1x1x16xf32> to vector<16xf32>
      %parallel_loop3A_484 = vector.shape_cast %parallel_loop3A_477 : vector<16xf32> to vector<1x1x16xf32>
      tpu.vector_store %arg7[%parallel_loop3A_479, %parallel_loop3A_480, %parallel_loop3A_481], %parallel_loop3A_484 {add = true, strides = array<i32>} : memref<4x64x128xf32, #tpu.memory_space<vmem>>, vector<1x1x16xf32>,
      %parallel_loop3A_485 = arith.index_cast %parallel_loop3A_451 : i32 to index
      %parallel_loop3A_486 = arith.constant 48 : index
      %parallel_loop3A_487 = tpu.vector_load %arg8[%parallel_loop3A_485, %parallel_loop3A_486] {strides = array<i32>} : memref<64x128xf32, #tpu.memory_space<vmem>>, vector<1x16xf32>,
      %parallel_loop3A_488 = vector.shape_cast %parallel_loop3A_487 : vector<1x16xf32> to vector<16xf32>
      %parallel_loop3A_489 = arith.constant 0 : i32
      %parallel_loop3A_490 = arith.index_cast %parallel_loop3A_489 : i32 to index
      %parallel_loop3A_491 = arith.index_cast %parallel_loop3A_451 : i32 to index
      %parallel_loop3A_492 = arith.constant 48 : index
      %parallel_loop3A_493 = tpu.vector_load %arg7[%parallel_loop3A_490, %parallel_loop3A_491, %parallel_loop3A_492] {strides = array<i32>} : memref<4x64x128xf32, #tpu.memory_space<vmem>>, vector<1x1x16xf32>,
      %parallel_loop3A_494 = vector.shape_cast %parallel_loop3A_493 : vector<1x1x16xf32> to vector<16xf32>
      %parallel_loop3A_495 = vector.shape_cast %parallel_loop3A_488 : vector<16xf32> to vector<1x1x16xf32>
      tpu.vector_store %arg7[%parallel_loop3A_490, %parallel_loop3A_491, %parallel_loop3A_492], %parallel_loop3A_495 {add = true, strides = array<i32>} : memref<4x64x128xf32, #tpu.memory_space<vmem>>, vector<1x1x16xf32>,
      %parallel_loop3A_496 = arith.index_cast %parallel_loop3A_451 : i32 to index
      %parallel_loop3A_497 = arith.constant 64 : index
      %parallel_loop3A_498 = tpu.vector_load %arg8[%parallel_loop3A_496, %parallel_loop3A_497] {strides = array<i32>} : memref<64x128xf32, #tpu.memory_space<vmem>>, vector<1x16xf32>,
      %parallel_loop3A_499 = vector.shape_cast %parallel_loop3A_498 : vector<1x16xf32> to vector<16xf32>
      %parallel_loop3A_500 = arith.constant 0 : i32
      %parallel_loop3A_501 = arith.index_cast %parallel_loop3A_500 : i32 to index
      %parallel_loop3A_502 = arith.index_cast %parallel_loop3A_451 : i32 to index
      %parallel_loop3A_503 = arith.constant 64 : index
      %parallel_loop3A_504 = tpu.vector_load %arg7[%parallel_loop3A_501, %parallel_loop3A_502, %parallel_loop3A_503] {strides = array<i32>} : memref<4x64x128xf32, #tpu.memory_space<vmem>>, vector<1x1x16xf32>,
      %parallel_loop3A_505 = vector.shape_cast %parallel_loop3A_504 : vector<1x1x16xf32> to vector<16xf32>
      %parallel_loop3A_506 = vector.shape_cast %parallel_loop3A_499 : vector<16xf32> to vector<1x1x16xf32>
      tpu.vector_store %arg7[%parallel_loop3A_501, %parallel_loop3A_502, %parallel_loop3A_503], %parallel_loop3A_506 {add = true, strides = array<i32>} : memref<4x64x128xf32, #tpu.memory_space<vmem>>, vector<1x1x16xf32>,
      %parallel_loop3A_507 = arith.index_cast %parallel_loop3A_451 : i32 to index
      %parallel_loop3A_508 = arith.constant 80 : index
      %parallel_loop3A_509 = tpu.vector_load %arg8[%parallel_loop3A_507, %parallel_loop3A_508] {strides = array<i32>} : memref<64x128xf32, #tpu.memory_space<vmem>>, vector<1x16xf32>,
      %parallel_loop3A_510 = vector.shape_cast %parallel_loop3A_509 : vector<1x16xf32> to vector<16xf32>
      %parallel_loop3A_511 = arith.constant 0 : i32
      %parallel_loop3A_512 = arith.index_cast %parallel_loop3A_511 : i32 to index
      %parallel_loop3A_513 = arith.index_cast %parallel_loop3A_451 : i32 to index
      %parallel_loop3A_514 = arith.constant 80 : index
      %parallel_loop3A_515 = tpu.vector_load %arg7[%parallel_loop3A_512, %parallel_loop3A_513, %parallel_loop3A_514] {strides = array<i32>} : memref<4x64x128xf32, #tpu.memory_space<vmem>>, vector<1x1x16xf32>,
      %parallel_loop3A_516 = vector.shape_cast %parallel_loop3A_515 : vector<1x1x16xf32> to vector<16xf32>
      %parallel_loop3A_517 = vector.shape_cast %parallel_loop3A_510 : vector<16xf32> to vector<1x1x16xf32>
      tpu.vector_store %arg7[%parallel_loop3A_512, %parallel_loop3A_513, %parallel_loop3A_514], %parallel_loop3A_517 {add = true, strides = array<i32>} : memref<4x64x128xf32, #tpu.memory_space<vmem>>, vector<1x1x16xf32>,
      %parallel_loop3A_518 = arith.index_cast %parallel_loop3A_451 : i32 to index
      %parallel_loop3A_519 = arith.constant 96 : index
      %parallel_loop3A_520 = tpu.vector_load %arg8[%parallel_loop3A_518, %parallel_loop3A_519] {strides = array<i32>} : memref<64x128xf32, #tpu.memory_space<vmem>>, vector<1x16xf32>,
      %parallel_loop3A_521 = vector.shape_cast %parallel_loop3A_520 : vector<1x16xf32> to vector<16xf32>
      %parallel_loop3A_522 = arith.constant 0 : i32
      %parallel_loop3A_523 = arith.index_cast %parallel_loop3A_522 : i32 to index
      %parallel_loop3A_524 = arith.index_cast %parallel_loop3A_451 : i32 to index
      %parallel_loop3A_525 = arith.constant 96 : index
      %parallel_loop3A_526 = tpu.vector_load %arg7[%parallel_loop3A_523, %parallel_loop3A_524, %parallel_loop3A_525] {strides = array<i32>} : memref<4x64x128xf32, #tpu.memory_space<vmem>>, vector<1x1x16xf32>,
      %parallel_loop3A_527 = vector.shape_cast %parallel_loop3A_526 : vector<1x1x16xf32> to vector<16xf32>
      %parallel_loop3A_528 = vector.shape_cast %parallel_loop3A_521 : vector<16xf32> to vector<1x1x16xf32>
      tpu.vector_store %arg7[%parallel_loop3A_523, %parallel_loop3A_524, %parallel_loop3A_525], %parallel_loop3A_528 {add = true, strides = array<i32>} : memref<4x64x128xf32, #tpu.memory_space<vmem>>, vector<1x1x16xf32>,
      %parallel_loop3A_529 = arith.index_cast %parallel_loop3A_451 : i32 to index
      %parallel_loop3A_530 = arith.constant 112 : index
      %parallel_loop3A_531 = tpu.vector_load %arg8[%parallel_loop3A_529, %parallel_loop3A_530] {strides = array<i32>} : memref<64x128xf32, #tpu.memory_space<vmem>>, vector<1x16xf32>,
      %parallel_loop3A_532 = vector.shape_cast %parallel_loop3A_531 : vector<1x16xf32> to vector<16xf32>
      %parallel_loop3A_533 = arith.constant 0 : i32
      %parallel_loop3A_534 = arith.index_cast %parallel_loop3A_533 : i32 to index
      %parallel_loop3A_535 = arith.index_cast %parallel_loop3A_451 : i32 to index
      %parallel_loop3A_536 = arith.constant 112 : index
      %parallel_loop3A_537 = tpu.vector_load %arg7[%parallel_loop3A_534, %parallel_loop3A_535, %parallel_loop3A_536] {strides = array<i32>} : memref<4x64x128xf32, #tpu.memory_space<vmem>>, vector<1x1x16xf32>,
      %parallel_loop3A_538 = vector.shape_cast %parallel_loop3A_537 : vector<1x1x16xf32> to vector<16xf32>
      %parallel_loop3A_539 = vector.shape_cast %parallel_loop3A_532 : vector<16xf32> to vector<1x1x16xf32>
      tpu.vector_store %arg7[%parallel_loop3A_534, %parallel_loop3A_535, %parallel_loop3A_536], %parallel_loop3A_539 {add = true, strides = array<i32>} : memref<4x64x128xf32, #tpu.memory_space<vmem>>, vector<1x1x16xf32>,
    } {sc.loop_unroll_factor = 1 : i64, sc.parallel_access}
    %dma_start3A_206 = arith.constant 0 : i32
    %dma_start3A_207 = arith.constant 0 : i32
    %dma_start3A_208 = arith.constant 0 : i32
    %dma_start3A_209 = arith.constant 0 : i32
    %dma_start3A_210 = arith.constant 0 : i32
    %dma_start3A_211 = tpu.memref_slice %arg7[%dma_start3A_206, %dma_start3A_209, %dma_start3A_210] : memref<4x64x128xf32, #tpu.memory_space<vmem>> -> memref<1x64x128xf32, #tpu.memory_space<vmem>>
    %dma_start3A_212 = tpu.memref_squeeze %dma_start3A_211 : memref<1x64x128xf32, #tpu.memory_space<vmem>> -> memref<64x128xf32, #tpu.memory_space<vmem>>
    %dma_start3A_213 = arith.constant 0 : i32
    %dma_start3A_214 = tpu.memref_slice %arg5[%dma_start3A_207, %mul3A_2, %dma_start3A_213] : memref<4x2048x128xf32, #tpu.memory_space<hbm>> -> memref<1x64x128xf32, #tpu.memory_space<hbm>>
    %dma_start3A_215 = tpu.memref_squeeze %dma_start3A_214 : memref<1x64x128xf32, #tpu.memory_space<hbm>> -> memref<64x128xf32, #tpu.memory_space<hbm>>
    %dma_start3A_216 = tpu.memref_slice %arg11[%dma_start3A_208] : memref<4x!tpu.dma_semaphore, #tpu.memory_space<semaphore_mem>> -> memref<1x!tpu.dma_semaphore, #tpu.memory_space<semaphore_mem>>
    %dma_start3A_217 = tpu.memref_squeeze %dma_start3A_216 : memref<1x!tpu.dma_semaphore, #tpu.memory_space<semaphore_mem>> -> memref<!tpu.dma_semaphore, #tpu.memory_space<semaphore_mem>>
    %dma_start3A_218 = arith.constant 0 : i32
    %dma_start3A_219 = tpu.memref_slice %arg5[%dma_start3A_207, %mul3A_2, %dma_start3A_218] : memref<4x2048x128xf32, #tpu.memory_space<hbm>> -> memref<1x64x128xf32, #tpu.memory_space<hbm>>
    %dma_start3A_220 = tpu.memref_squeeze %dma_start3A_219 : memref<1x64x128xf32, #tpu.memory_space<hbm>> -> memref<64x128xf32, #tpu.memory_space<hbm>>
    %dma_start3A_221 = arith.constant 0 : i32
    %dma_start3A_222 = arith.constant 0 : i32
    %dma_start3A_223 = tpu.memref_slice %arg7[%dma_start3A_206, %dma_start3A_221, %dma_start3A_222] : memref<4x64x128xf32, #tpu.memory_space<vmem>> -> memref<1x64x128xf32, #tpu.memory_space<vmem>>
    %dma_start3A_224 = tpu.memref_squeeze %dma_start3A_223 : memref<1x64x128xf32, #tpu.memory_space<vmem>> -> memref<64x128xf32, #tpu.memory_space<vmem>>
    tpu.enqueue_dma source(%dma_start3A_224 : memref<64x128xf32, #tpu.memory_space<vmem>>) target(%dma_start3A_220 : memref<64x128xf32, #tpu.memory_space<hbm>>) target_semaphore(%dma_start3A_217 : memref<!tpu.dma_semaphore, #tpu.memory_space<semaphore_mem>>)
    %dma_wait3A_225 = arith.constant 1 : i32
    %dma_wait3A_226 = arith.constant 1 : i32
    %dma_wait3A_227 = arith.constant 1 : i32
    %dma_wait3A_228 = arith.constant 0 : i32
    %dma_wait3A_229 = arith.constant 0 : i32
    %dma_wait3A_230 = tpu.memref_slice %arg7[%dma_wait3A_226, %dma_wait3A_228, %dma_wait3A_229] : memref<4x64x128xf32, #tpu.memory_space<vmem>> -> memref<1x64x128xf32, #tpu.memory_space<vmem>>
    %dma_wait3A_231 = tpu.memref_squeeze %dma_wait3A_230 : memref<1x64x128xf32, #tpu.memory_space<vmem>> -> memref<64x128xf32, #tpu.memory_space<vmem>>
    %dma_wait3A_232 = arith.constant 0 : i32
    %dma_wait3A_233 = tpu.memref_slice %arg6[%dma_wait3A_225, %dma_wait3A_232] : memref<4x64xi32, #tpu.memory_space<vmem>> -> memref<1x64xi32, #tpu.memory_space<vmem>>
    %dma_wait3A_234 = tpu.memref_squeeze %dma_wait3A_233 : memref<1x64xi32, #tpu.memory_space<vmem>> -> memref<64xi32, #tpu.memory_space<vmem>>
    %dma_wait3A_235 = arith.constant 0 : i32
    %dma_wait3A_236 = arith.constant 0 : i32
    %dma_wait3A_237 = tpu.memref_slice %arg3[%dma_wait3A_235, %dma_wait3A_236] : memref<100000x128xf32, #tpu.memory_space<hbm>> -> memref<100000x128xf32, #tpu.memory_space<hbm>>
    %dma_wait3A_238 = tpu.memref_slice %arg10[%dma_wait3A_227] : memref<4x!tpu.dma_semaphore, #tpu.memory_space<semaphore_mem>> -> memref<1x!tpu.dma_semaphore, #tpu.memory_space<semaphore_mem>>
    %dma_wait3A_239 = tpu.memref_squeeze %dma_wait3A_238 : memref<1x!tpu.dma_semaphore, #tpu.memory_space<semaphore_mem>> -> memref<!tpu.dma_semaphore, #tpu.memory_space<semaphore_mem>>
    tpu.wait_indirect_dma semaphore(%dma_wait3A_239 : memref<!tpu.dma_semaphore, #tpu.memory_space<semaphore_mem>>) src(%dma_wait3A_237 : memref<100000x128xf32, #tpu.memory_space<hbm>>) dst(%dma_wait3A_231 : memref<64x128xf32, #tpu.memory_space<vmem>>)
    %parallel_loop3A_240 = arith.constant 0 : i32
    %parallel_loop3A_241 = arith.constant 64 : i32
    %parallel_loop3A_242 = arith.constant 1 : i32
    scf.for %parallel_loop3A_449 = %parallel_loop3A_240 to %parallel_loop3A_241 step %parallel_loop3A_242  : i32 {
      %parallel_loop3A_450 = arith.constant 0 : i32
      %parallel_loop3A_451 = arith.addi %parallel_loop3A_450, %parallel_loop3A_449 : i32
      %parallel_loop3A_452 = arith.index_cast %parallel_loop3A_451 : i32 to index
      %parallel_loop3A_453 = arith.constant 0 : index
      %parallel_loop3A_454 = tpu.vector_load %arg8[%parallel_loop3A_452, %parallel_loop3A_453] {strides = array<i32>} : memref<64x128xf32, #tpu.memory_space<vmem>>, vector<1x16xf32>,
      %parallel_loop3A_455 = vector.shape_cast %parallel_loop3A_454 : vector<1x16xf32> to vector<16xf32>
      %parallel_loop3A_456 = arith.constant 1 : i32
      %parallel_loop3A_457 = arith.index_cast %parallel_loop3A_456 : i32 to index
      %parallel_loop3A_458 = arith.index_cast %parallel_loop3A_451 : i32 to index
      %parallel_loop3A_459 = arith.constant 0 : index
      %parallel_loop3A_460 = tpu.vector_load %arg7[%parallel_loop3A_457, %parallel_loop3A_458, %parallel_loop3A_459] {strides = array<i32>} : memref<4x64x128xf32, #tpu.memory_space<vmem>>, vector<1x1x16xf32>,
      %parallel_loop3A_461 = vector.shape_cast %parallel_loop3A_460 : vector<1x1x16xf32> to vector<16xf32>
      %parallel_loop3A_462 = vector.shape_cast %parallel_loop3A_455 : vector<16xf32> to vector<1x1x16xf32>
      tpu.vector_store %arg7[%parallel_loop3A_457, %parallel_loop3A_458, %parallel_loop3A_459], %parallel_loop3A_462 {add = true, strides = array<i32>} : memref<4x64x128xf32, #tpu.memory_space<vmem>>, vector<1x1x16xf32>,
      %parallel_loop3A_463 = arith.index_cast %parallel_loop3A_451 : i32 to index
      %parallel_loop3A_464 = arith.constant 16 : index
      %parallel_loop3A_465 = tpu.vector_load %arg8[%parallel_loop3A_463, %parallel_loop3A_464] {strides = array<i32>} : memref<64x128xf32, #tpu.memory_space<vmem>>, vector<1x16xf32>,
      %parallel_loop3A_466 = vector.shape_cast %parallel_loop3A_465 : vector<1x16xf32> to vector<16xf32>
      %parallel_loop3A_467 = arith.constant 1 : i32
      %parallel_loop3A_468 = arith.index_cast %parallel_loop3A_467 : i32 to index
      %parallel_loop3A_469 = arith.index_cast %parallel_loop3A_451 : i32 to index
      %parallel_loop3A_470 = arith.constant 16 : index
      %parallel_loop3A_471 = tpu.vector_load %arg7[%parallel_loop3A_468, %parallel_loop3A_469, %parallel_loop3A_470] {strides = array<i32>} : memref<4x64x128xf32, #tpu.memory_space<vmem>>, vector<1x1x16xf32>,
      %parallel_loop3A_472 = vector.shape_cast %parallel_loop3A_471 : vector<1x1x16xf32> to vector<16xf32>
      %parallel_loop3A_473 = vector.shape_cast %parallel_loop3A_466 : vector<16xf32> to vector<1x1x16xf32>
      tpu.vector_store %arg7[%parallel_loop3A_468, %parallel_loop3A_469, %parallel_loop3A_470], %parallel_loop3A_473 {add = true, strides = array<i32>} : memref<4x64x128xf32, #tpu.memory_space<vmem>>, vector<1x1x16xf32>,
      %parallel_loop3A_474 = arith.index_cast %parallel_loop3A_451 : i32 to index
      %parallel_loop3A_475 = arith.constant 32 : index
      %parallel_loop3A_476 = tpu.vector_load %arg8[%parallel_loop3A_474, %parallel_loop3A_475] {strides = array<i32>} : memref<64x128xf32, #tpu.memory_space<vmem>>, vector<1x16xf32>,
      %parallel_loop3A_477 = vector.shape_cast %parallel_loop3A_476 : vector<1x16xf32> to vector<16xf32>
      %parallel_loop3A_478 = arith.constant 1 : i32
      %parallel_loop3A_479 = arith.index_cast %parallel_loop3A_478 : i32 to index
      %parallel_loop3A_480 = arith.index_cast %parallel_loop3A_451 : i32 to index
      %parallel_loop3A_481 = arith.constant 32 : index
      %parallel_loop3A_482 = tpu.vector_load %arg7[%parallel_loop3A_479, %parallel_loop3A_480, %parallel_loop3A_481] {strides = array<i32>} : memref<4x64x128xf32, #tpu.memory_space<vmem>>, vector<1x1x16xf32>,
      %parallel_loop3A_483 = vector.shape_cast %parallel_loop3A_482 : vector<1x1x16xf32> to vector<16xf32>
      %parallel_loop3A_484 = vector.shape_cast %parallel_loop3A_477 : vector<16xf32> to vector<1x1x16xf32>
      tpu.vector_store %arg7[%parallel_loop3A_479, %parallel_loop3A_480, %parallel_loop3A_481], %parallel_loop3A_484 {add = true, strides = array<i32>} : memref<4x64x128xf32, #tpu.memory_space<vmem>>, vector<1x1x16xf32>,
      %parallel_loop3A_485 = arith.index_cast %parallel_loop3A_451 : i32 to index
      %parallel_loop3A_486 = arith.constant 48 : index
      %parallel_loop3A_487 = tpu.vector_load %arg8[%parallel_loop3A_485, %parallel_loop3A_486] {strides = array<i32>} : memref<64x128xf32, #tpu.memory_space<vmem>>, vector<1x16xf32>,
      %parallel_loop3A_488 = vector.shape_cast %parallel_loop3A_487 : vector<1x16xf32> to vector<16xf32>
      %parallel_loop3A_489 = arith.constant 1 : i32
      %parallel_loop3A_490 = arith.index_cast %parallel_loop3A_489 : i32 to index
      %parallel_loop3A_491 = arith.index_cast %parallel_loop3A_451 : i32 to index
      %parallel_loop3A_492 = arith.constant 48 : index
      %parallel_loop3A_493 = tpu.vector_load %arg7[%parallel_loop3A_490, %parallel_loop3A_491, %parallel_loop3A_492] {strides = array<i32>} : memref<4x64x128xf32, #tpu.memory_space<vmem>>, vector<1x1x16xf32>,
      %parallel_loop3A_494 = vector.shape_cast %parallel_loop3A_493 : vector<1x1x16xf32> to vector<16xf32>
      %parallel_loop3A_495 = vector.shape_cast %parallel_loop3A_488 : vector<16xf32> to vector<1x1x16xf32>
      tpu.vector_store %arg7[%parallel_loop3A_490, %parallel_loop3A_491, %parallel_loop3A_492], %parallel_loop3A_495 {add = true, strides = array<i32>} : memref<4x64x128xf32, #tpu.memory_space<vmem>>, vector<1x1x16xf32>,
      %parallel_loop3A_496 = arith.index_cast %parallel_loop3A_451 : i32 to index
      %parallel_loop3A_497 = arith.constant 64 : index
      %parallel_loop3A_498 = tpu.vector_load %arg8[%parallel_loop3A_496, %parallel_loop3A_497] {strides = array<i32>} : memref<64x128xf32, #tpu.memory_space<vmem>>, vector<1x16xf32>,
      %parallel_loop3A_499 = vector.shape_cast %parallel_loop3A_498 : vector<1x16xf32> to vector<16xf32>
      %parallel_loop3A_500 = arith.constant 1 : i32
      %parallel_loop3A_501 = arith.index_cast %parallel_loop3A_500 : i32 to index
      %parallel_loop3A_502 = arith.index_cast %parallel_loop3A_451 : i32 to index
      %parallel_loop3A_503 = arith.constant 64 : index
      %parallel_loop3A_504 = tpu.vector_load %arg7[%parallel_loop3A_501, %parallel_loop3A_502, %parallel_loop3A_503] {strides = array<i32>} : memref<4x64x128xf32, #tpu.memory_space<vmem>>, vector<1x1x16xf32>,
      %parallel_loop3A_505 = vector.shape_cast %parallel_loop3A_504 : vector<1x1x16xf32> to vector<16xf32>
      %parallel_loop3A_506 = vector.shape_cast %parallel_loop3A_499 : vector<16xf32> to vector<1x1x16xf32>
      tpu.vector_store %arg7[%parallel_loop3A_501, %parallel_loop3A_502, %parallel_loop3A_503], %parallel_loop3A_506 {add = true, strides = array<i32>} : memref<4x64x128xf32, #tpu.memory_space<vmem>>, vector<1x1x16xf32>,
      %parallel_loop3A_507 = arith.index_cast %parallel_loop3A_451 : i32 to index
      %parallel_loop3A_508 = arith.constant 80 : index
      %parallel_loop3A_509 = tpu.vector_load %arg8[%parallel_loop3A_507, %parallel_loop3A_508] {strides = array<i32>} : memref<64x128xf32, #tpu.memory_space<vmem>>, vector<1x16xf32>,
      %parallel_loop3A_510 = vector.shape_cast %parallel_loop3A_509 : vector<1x16xf32> to vector<16xf32>
      %parallel_loop3A_511 = arith.constant 1 : i32
      %parallel_loop3A_512 = arith.index_cast %parallel_loop3A_511 : i32 to index
      %parallel_loop3A_513 = arith.index_cast %parallel_loop3A_451 : i32 to index
      %parallel_loop3A_514 = arith.constant 80 : index
      %parallel_loop3A_515 = tpu.vector_load %arg7[%parallel_loop3A_512, %parallel_loop3A_513, %parallel_loop3A_514] {strides = array<i32>} : memref<4x64x128xf32, #tpu.memory_space<vmem>>, vector<1x1x16xf32>,
      %parallel_loop3A_516 = vector.shape_cast %parallel_loop3A_515 : vector<1x1x16xf32> to vector<16xf32>
      %parallel_loop3A_517 = vector.shape_cast %parallel_loop3A_510 : vector<16xf32> to vector<1x1x16xf32>
      tpu.vector_store %arg7[%parallel_loop3A_512, %parallel_loop3A_513, %parallel_loop3A_514], %parallel_loop3A_517 {add = true, strides = array<i32>} : memref<4x64x128xf32, #tpu.memory_space<vmem>>, vector<1x1x16xf32>,
      %parallel_loop3A_518 = arith.index_cast %parallel_loop3A_451 : i32 to index
      %parallel_loop3A_519 = arith.constant 96 : index
      %parallel_loop3A_520 = tpu.vector_load %arg8[%parallel_loop3A_518, %parallel_loop3A_519] {strides = array<i32>} : memref<64x128xf32, #tpu.memory_space<vmem>>, vector<1x16xf32>,
      %parallel_loop3A_521 = vector.shape_cast %parallel_loop3A_520 : vector<1x16xf32> to vector<16xf32>
      %parallel_loop3A_522 = arith.constant 1 : i32
      %parallel_loop3A_523 = arith.index_cast %parallel_loop3A_522 : i32 to index
      %parallel_loop3A_524 = arith.index_cast %parallel_loop3A_451 : i32 to index
      %parallel_loop3A_525 = arith.constant 96 : index
      %parallel_loop3A_526 = tpu.vector_load %arg7[%parallel_loop3A_523, %parallel_loop3A_524, %parallel_loop3A_525] {strides = array<i32>} : memref<4x64x128xf32, #tpu.memory_space<vmem>>, vector<1x1x16xf32>,
      %parallel_loop3A_527 = vector.shape_cast %parallel_loop3A_526 : vector<1x1x16xf32> to vector<16xf32>
      %parallel_loop3A_528 = vector.shape_cast %parallel_loop3A_521 : vector<16xf32> to vector<1x1x16xf32>
      tpu.vector_store %arg7[%parallel_loop3A_523, %parallel_loop3A_524, %parallel_loop3A_525], %parallel_loop3A_528 {add = true, strides = array<i32>} : memref<4x64x128xf32, #tpu.memory_space<vmem>>, vector<1x1x16xf32>,
      %parallel_loop3A_529 = arith.index_cast %parallel_loop3A_451 : i32 to index
      %parallel_loop3A_530 = arith.constant 112 : index
      %parallel_loop3A_531 = tpu.vector_load %arg8[%parallel_loop3A_529, %parallel_loop3A_530] {strides = array<i32>} : memref<64x128xf32, #tpu.memory_space<vmem>>, vector<1x16xf32>,
      %parallel_loop3A_532 = vector.shape_cast %parallel_loop3A_531 : vector<1x16xf32> to vector<16xf32>
      %parallel_loop3A_533 = arith.constant 1 : i32
      %parallel_loop3A_534 = arith.index_cast %parallel_loop3A_533 : i32 to index
      %parallel_loop3A_535 = arith.index_cast %parallel_loop3A_451 : i32 to index
      %parallel_loop3A_536 = arith.constant 112 : index
      %parallel_loop3A_537 = tpu.vector_load %arg7[%parallel_loop3A_534, %parallel_loop3A_535, %parallel_loop3A_536] {strides = array<i32>} : memref<4x64x128xf32, #tpu.memory_space<vmem>>, vector<1x1x16xf32>,
      %parallel_loop3A_538 = vector.shape_cast %parallel_loop3A_537 : vector<1x1x16xf32> to vector<16xf32>
      %parallel_loop3A_539 = vector.shape_cast %parallel_loop3A_532 : vector<16xf32> to vector<1x1x16xf32>
      tpu.vector_store %arg7[%parallel_loop3A_534, %parallel_loop3A_535, %parallel_loop3A_536], %parallel_loop3A_539 {add = true, strides = array<i32>} : memref<4x64x128xf32, #tpu.memory_space<vmem>>, vector<1x1x16xf32>,
    } {sc.loop_unroll_factor = 1 : i64, sc.parallel_access}
    %dma_start3A_243 = arith.constant 1 : i32
    %dma_start3A_244 = arith.constant 1 : i32
    %dma_start3A_245 = arith.constant 1 : i32
    %dma_start3A_246 = arith.constant 0 : i32
    %dma_start3A_247 = arith.constant 0 : i32
    %dma_start3A_248 = tpu.memref_slice %arg7[%dma_start3A_243, %dma_start3A_246, %dma_start3A_247] : memref<4x64x128xf32, #tpu.memory_space<vmem>> -> memref<1x64x128xf32, #tpu.memory_space<vmem>>
    %dma_start3A_249 = tpu.memref_squeeze %dma_start3A_248 : memref<1x64x128xf32, #tpu.memory_space<vmem>> -> memref<64x128xf32, #tpu.memory_space<vmem>>
    %dma_start3A_250 = arith.constant 0 : i32
    %dma_start3A_251 = tpu.memref_slice %arg5[%dma_start3A_244, %mul3A_2, %dma_start3A_250] : memref<4x2048x128xf32, #tpu.memory_space<hbm>> -> memref<1x64x128xf32, #tpu.memory_space<hbm>>
    %dma_start3A_252 = tpu.memref_squeeze %dma_start3A_251 : memref<1x64x128xf32, #tpu.memory_space<hbm>> -> memref<64x128xf32, #tpu.memory_space<hbm>>
    %dma_start3A_253 = tpu.memref_slice %arg11[%dma_start3A_245] : memref<4x!tpu.dma_semaphore, #tpu.memory_space<semaphore_mem>> -> memref<1x!tpu.dma_semaphore, #tpu.memory_space<semaphore_mem>>
    %dma_start3A_254 = tpu.memref_squeeze %dma_start3A_253 : memref<1x!tpu.dma_semaphore, #tpu.memory_space<semaphore_mem>> -> memref<!tpu.dma_semaphore, #tpu.memory_space<semaphore_mem>>
    %dma_start3A_255 = arith.constant 0 : i32
    %dma_start3A_256 = tpu.memref_slice %arg5[%dma_start3A_244, %mul3A_2, %dma_start3A_255] : memref<4x2048x128xf32, #tpu.memory_space<hbm>> -> memref<1x64x128xf32, #tpu.memory_space<hbm>>
    %dma_start3A_257 = tpu.memref_squeeze %dma_start3A_256 : memref<1x64x128xf32, #tpu.memory_space<hbm>> -> memref<64x128xf32, #tpu.memory_space<hbm>>
    %dma_start3A_258 = arith.constant 0 : i32
    %dma_start3A_259 = arith.constant 0 : i32
    %dma_start3A_260 = tpu.memref_slice %arg7[%dma_start3A_243, %dma_start3A_258, %dma_start3A_259] : memref<4x64x128xf32, #tpu.memory_space<vmem>> -> memref<1x64x128xf32, #tpu.memory_space<vmem>>
    %dma_start3A_261 = tpu.memref_squeeze %dma_start3A_260 : memref<1x64x128xf32, #tpu.memory_space<vmem>> -> memref<64x128xf32, #tpu.memory_space<vmem>>
    tpu.enqueue_dma source(%dma_start3A_261 : memref<64x128xf32, #tpu.memory_space<vmem>>) target(%dma_start3A_257 : memref<64x128xf32, #tpu.memory_space<hbm>>) target_semaphore(%dma_start3A_254 : memref<!tpu.dma_semaphore, #tpu.memory_space<semaphore_mem>>)
    %dma_wait3A_262 = arith.constant 2 : i32
    %dma_wait3A_263 = arith.constant 2 : i32
    %dma_wait3A_264 = arith.constant 2 : i32
    %dma_wait3A_265 = arith.constant 0 : i32
    %dma_wait3A_266 = arith.constant 0 : i32
    %dma_wait3A_267 = tpu.memref_slice %arg7[%dma_wait3A_263, %dma_wait3A_265, %dma_wait3A_266] : memref<4x64x128xf32, #tpu.memory_space<vmem>> -> memref<1x64x128xf32, #tpu.memory_space<vmem>>
    %dma_wait3A_268 = tpu.memref_squeeze %dma_wait3A_267 : memref<1x64x128xf32, #tpu.memory_space<vmem>> -> memref<64x128xf32, #tpu.memory_space<vmem>>
    %dma_wait3A_269 = arith.constant 0 : i32
    %dma_wait3A_270 = tpu.memref_slice %arg6[%dma_wait3A_262, %dma_wait3A_269] : memref<4x64xi32, #tpu.memory_space<vmem>> -> memref<1x64xi32, #tpu.memory_space<vmem>>
    %dma_wait3A_271 = tpu.memref_squeeze %dma_wait3A_270 : memref<1x64xi32, #tpu.memory_space<vmem>> -> memref<64xi32, #tpu.memory_space<vmem>>
    %dma_wait3A_272 = arith.constant 0 : i32
    %dma_wait3A_273 = arith.constant 0 : i32
    %dma_wait3A_274 = tpu.memref_slice %arg3[%dma_wait3A_272, %dma_wait3A_273] : memref<100000x128xf32, #tpu.memory_space<hbm>> -> memref<100000x128xf32, #tpu.memory_space<hbm>>
    %dma_wait3A_275 = tpu.memref_slice %arg10[%dma_wait3A_264] : memref<4x!tpu.dma_semaphore, #tpu.memory_space<semaphore_mem>> -> memref<1x!tpu.dma_semaphore, #tpu.memory_space<semaphore_mem>>
    %dma_wait3A_276 = tpu.memref_squeeze %dma_wait3A_275 : memref<1x!tpu.dma_semaphore, #tpu.memory_space<semaphore_mem>> -> memref<!tpu.dma_semaphore, #tpu.memory_space<semaphore_mem>>
    tpu.wait_indirect_dma semaphore(%dma_wait3A_276 : memref<!tpu.dma_semaphore, #tpu.memory_space<semaphore_mem>>) src(%dma_wait3A_274 : memref<100000x128xf32, #tpu.memory_space<hbm>>) dst(%dma_wait3A_268 : memref<64x128xf32, #tpu.memory_space<vmem>>)
    %parallel_loop3A_277 = arith.constant 0 : i32
    %parallel_loop3A_278 = arith.constant 64 : i32
    %parallel_loop3A_279 = arith.constant 1 : i32
    scf.for %parallel_loop3A_449 = %parallel_loop3A_277 to %parallel_loop3A_278 step %parallel_loop3A_279  : i32 {
      %parallel_loop3A_450 = arith.constant 0 : i32
      %parallel_loop3A_451 = arith.addi %parallel_loop3A_450, %parallel_loop3A_449 : i32
      %parallel_loop3A_452 = arith.index_cast %parallel_loop3A_451 : i32 to index
      %parallel_loop3A_453 = arith.constant 0 : index
      %parallel_loop3A_454 = tpu.vector_load %arg8[%parallel_loop3A_452, %parallel_loop3A_453] {strides = array<i32>} : memref<64x128xf32, #tpu.memory_space<vmem>>, vector<1x16xf32>,
      %parallel_loop3A_455 = vector.shape_cast %parallel_loop3A_454 : vector<1x16xf32> to vector<16xf32>
      %parallel_loop3A_456 = arith.constant 2 : i32
      %parallel_loop3A_457 = arith.index_cast %parallel_loop3A_456 : i32 to index
      %parallel_loop3A_458 = arith.index_cast %parallel_loop3A_451 : i32 to index
      %parallel_loop3A_459 = arith.constant 0 : index
      %parallel_loop3A_460 = tpu.vector_load %arg7[%parallel_loop3A_457, %parallel_loop3A_458, %parallel_loop3A_459] {strides = array<i32>} : memref<4x64x128xf32, #tpu.memory_space<vmem>>, vector<1x1x16xf32>,
      %parallel_loop3A_461 = vector.shape_cast %parallel_loop3A_460 : vector<1x1x16xf32> to vector<16xf32>
      %parallel_loop3A_462 = vector.shape_cast %parallel_loop3A_455 : vector<16xf32> to vector<1x1x16xf32>
      tpu.vector_store %arg7[%parallel_loop3A_457, %parallel_loop3A_458, %parallel_loop3A_459], %parallel_loop3A_462 {add = true, strides = array<i32>} : memref<4x64x128xf32, #tpu.memory_space<vmem>>, vector<1x1x16xf32>,
      %parallel_loop3A_463 = arith.index_cast %parallel_loop3A_451 : i32 to index
      %parallel_loop3A_464 = arith.constant 16 : index
      %parallel_loop3A_465 = tpu.vector_load %arg8[%parallel_loop3A_463, %parallel_loop3A_464] {strides = array<i32>} : memref<64x128xf32, #tpu.memory_space<vmem>>, vector<1x16xf32>,
      %parallel_loop3A_466 = vector.shape_cast %parallel_loop3A_465 : vector<1x16xf32> to vector<16xf32>
      %parallel_loop3A_467 = arith.constant 2 : i32
      %parallel_loop3A_468 = arith.index_cast %parallel_loop3A_467 : i32 to index
      %parallel_loop3A_469 = arith.index_cast %parallel_loop3A_451 : i32 to index
      %parallel_loop3A_470 = arith.constant 16 : index
      %parallel_loop3A_471 = tpu.vector_load %arg7[%parallel_loop3A_468, %parallel_loop3A_469, %parallel_loop3A_470] {strides = array<i32>} : memref<4x64x128xf32, #tpu.memory_space<vmem>>, vector<1x1x16xf32>,
      %parallel_loop3A_472 = vector.shape_cast %parallel_loop3A_471 : vector<1x1x16xf32> to vector<16xf32>
      %parallel_loop3A_473 = vector.shape_cast %parallel_loop3A_466 : vector<16xf32> to vector<1x1x16xf32>
      tpu.vector_store %arg7[%parallel_loop3A_468, %parallel_loop3A_469, %parallel_loop3A_470], %parallel_loop3A_473 {add = true, strides = array<i32>} : memref<4x64x128xf32, #tpu.memory_space<vmem>>, vector<1x1x16xf32>,
      %parallel_loop3A_474 = arith.index_cast %parallel_loop3A_451 : i32 to index
      %parallel_loop3A_475 = arith.constant 32 : index
      %parallel_loop3A_476 = tpu.vector_load %arg8[%parallel_loop3A_474, %parallel_loop3A_475] {strides = array<i32>} : memref<64x128xf32, #tpu.memory_space<vmem>>, vector<1x16xf32>,
      %parallel_loop3A_477 = vector.shape_cast %parallel_loop3A_476 : vector<1x16xf32> to vector<16xf32>
      %parallel_loop3A_478 = arith.constant 2 : i32
      %parallel_loop3A_479 = arith.index_cast %parallel_loop3A_478 : i32 to index
      %parallel_loop3A_480 = arith.index_cast %parallel_loop3A_451 : i32 to index
      %parallel_loop3A_481 = arith.constant 32 : index
      %parallel_loop3A_482 = tpu.vector_load %arg7[%parallel_loop3A_479, %parallel_loop3A_480, %parallel_loop3A_481] {strides = array<i32>} : memref<4x64x128xf32, #tpu.memory_space<vmem>>, vector<1x1x16xf32>,
      %parallel_loop3A_483 = vector.shape_cast %parallel_loop3A_482 : vector<1x1x16xf32> to vector<16xf32>
      %parallel_loop3A_484 = vector.shape_cast %parallel_loop3A_477 : vector<16xf32> to vector<1x1x16xf32>
      tpu.vector_store %arg7[%parallel_loop3A_479, %parallel_loop3A_480, %parallel_loop3A_481], %parallel_loop3A_484 {add = true, strides = array<i32>} : memref<4x64x128xf32, #tpu.memory_space<vmem>>, vector<1x1x16xf32>,
      %parallel_loop3A_485 = arith.index_cast %parallel_loop3A_451 : i32 to index
      %parallel_loop3A_486 = arith.constant 48 : index
      %parallel_loop3A_487 = tpu.vector_load %arg8[%parallel_loop3A_485, %parallel_loop3A_486] {strides = array<i32>} : memref<64x128xf32, #tpu.memory_space<vmem>>, vector<1x16xf32>,
      %parallel_loop3A_488 = vector.shape_cast %parallel_loop3A_487 : vector<1x16xf32> to vector<16xf32>
      %parallel_loop3A_489 = arith.constant 2 : i32
      %parallel_loop3A_490 = arith.index_cast %parallel_loop3A_489 : i32 to index
      %parallel_loop3A_491 = arith.index_cast %parallel_loop3A_451 : i32 to index
      %parallel_loop3A_492 = arith.constant 48 : index
      %parallel_loop3A_493 = tpu.vector_load %arg7[%parallel_loop3A_490, %parallel_loop3A_491, %parallel_loop3A_492] {strides = array<i32>} : memref<4x64x128xf32, #tpu.memory_space<vmem>>, vector<1x1x16xf32>,
      %parallel_loop3A_494 = vector.shape_cast %parallel_loop3A_493 : vector<1x1x16xf32> to vector<16xf32>
      %parallel_loop3A_495 = vector.shape_cast %parallel_loop3A_488 : vector<16xf32> to vector<1x1x16xf32>
      tpu.vector_store %arg7[%parallel_loop3A_490, %parallel_loop3A_491, %parallel_loop3A_492], %parallel_loop3A_495 {add = true, strides = array<i32>} : memref<4x64x128xf32, #tpu.memory_space<vmem>>, vector<1x1x16xf32>,
      %parallel_loop3A_496 = arith.index_cast %parallel_loop3A_451 : i32 to index
      %parallel_loop3A_497 = arith.constant 64 : index
      %parallel_loop3A_498 = tpu.vector_load %arg8[%parallel_loop3A_496, %parallel_loop3A_497] {strides = array<i32>} : memref<64x128xf32, #tpu.memory_space<vmem>>, vector<1x16xf32>,
      %parallel_loop3A_499 = vector.shape_cast %parallel_loop3A_498 : vector<1x16xf32> to vector<16xf32>
      %parallel_loop3A_500 = arith.constant 2 : i32
      %parallel_loop3A_501 = arith.index_cast %parallel_loop3A_500 : i32 to index
      %parallel_loop3A_502 = arith.index_cast %parallel_loop3A_451 : i32 to index
      %parallel_loop3A_503 = arith.constant 64 : index
      %parallel_loop3A_504 = tpu.vector_load %arg7[%parallel_loop3A_501, %parallel_loop3A_502, %parallel_loop3A_503] {strides = array<i32>} : memref<4x64x128xf32, #tpu.memory_space<vmem>>, vector<1x1x16xf32>,
      %parallel_loop3A_505 = vector.shape_cast %parallel_loop3A_504 : vector<1x1x16xf32> to vector<16xf32>
      %parallel_loop3A_506 = vector.shape_cast %parallel_loop3A_499 : vector<16xf32> to vector<1x1x16xf32>
      tpu.vector_store %arg7[%parallel_loop3A_501, %parallel_loop3A_502, %parallel_loop3A_503], %parallel_loop3A_506 {add = true, strides = array<i32>} : memref<4x64x128xf32, #tpu.memory_space<vmem>>, vector<1x1x16xf32>,
      %parallel_loop3A_507 = arith.index_cast %parallel_loop3A_451 : i32 to index
      %parallel_loop3A_508 = arith.constant 80 : index
      %parallel_loop3A_509 = tpu.vector_load %arg8[%parallel_loop3A_507, %parallel_loop3A_508] {strides = array<i32>} : memref<64x128xf32, #tpu.memory_space<vmem>>, vector<1x16xf32>,
      %parallel_loop3A_510 = vector.shape_cast %parallel_loop3A_509 : vector<1x16xf32> to vector<16xf32>
      %parallel_loop3A_511 = arith.constant 2 : i32
      %parallel_loop3A_512 = arith.index_cast %parallel_loop3A_511 : i32 to index
      %parallel_loop3A_513 = arith.index_cast %parallel_loop3A_451 : i32 to index
      %parallel_loop3A_514 = arith.constant 80 : index
      %parallel_loop3A_515 = tpu.vector_load %arg7[%parallel_loop3A_512, %parallel_loop3A_513, %parallel_loop3A_514] {strides = array<i32>} : memref<4x64x128xf32, #tpu.memory_space<vmem>>, vector<1x1x16xf32>,
      %parallel_loop3A_516 = vector.shape_cast %parallel_loop3A_515 : vector<1x1x16xf32> to vector<16xf32>
      %parallel_loop3A_517 = vector.shape_cast %parallel_loop3A_510 : vector<16xf32> to vector<1x1x16xf32>
      tpu.vector_store %arg7[%parallel_loop3A_512, %parallel_loop3A_513, %parallel_loop3A_514], %parallel_loop3A_517 {add = true, strides = array<i32>} : memref<4x64x128xf32, #tpu.memory_space<vmem>>, vector<1x1x16xf32>,
      %parallel_loop3A_518 = arith.index_cast %parallel_loop3A_451 : i32 to index
      %parallel_loop3A_519 = arith.constant 96 : index
      %parallel_loop3A_520 = tpu.vector_load %arg8[%parallel_loop3A_518, %parallel_loop3A_519] {strides = array<i32>} : memref<64x128xf32, #tpu.memory_space<vmem>>, vector<1x16xf32>,
      %parallel_loop3A_521 = vector.shape_cast %parallel_loop3A_520 : vector<1x16xf32> to vector<16xf32>
      %parallel_loop3A_522 = arith.constant 2 : i32
      %parallel_loop3A_523 = arith.index_cast %parallel_loop3A_522 : i32 to index
      %parallel_loop3A_524 = arith.index_cast %parallel_loop3A_451 : i32 to index
      %parallel_loop3A_525 = arith.constant 96 : index
      %parallel_loop3A_526 = tpu.vector_load %arg7[%parallel_loop3A_523, %parallel_loop3A_524, %parallel_loop3A_525] {strides = array<i32>} : memref<4x64x128xf32, #tpu.memory_space<vmem>>, vector<1x1x16xf32>,
      %parallel_loop3A_527 = vector.shape_cast %parallel_loop3A_526 : vector<1x1x16xf32> to vector<16xf32>
      %parallel_loop3A_528 = vector.shape_cast %parallel_loop3A_521 : vector<16xf32> to vector<1x1x16xf32>
      tpu.vector_store %arg7[%parallel_loop3A_523, %parallel_loop3A_524, %parallel_loop3A_525], %parallel_loop3A_528 {add = true, strides = array<i32>} : memref<4x64x128xf32, #tpu.memory_space<vmem>>, vector<1x1x16xf32>,
      %parallel_loop3A_529 = arith.index_cast %parallel_loop3A_451 : i32 to index
      %parallel_loop3A_530 = arith.constant 112 : index
      %parallel_loop3A_531 = tpu.vector_load %arg8[%parallel_loop3A_529, %parallel_loop3A_530] {strides = array<i32>} : memref<64x128xf32, #tpu.memory_space<vmem>>, vector<1x16xf32>,
      %parallel_loop3A_532 = vector.shape_cast %parallel_loop3A_531 : vector<1x16xf32> to vector<16xf32>
      %parallel_loop3A_533 = arith.constant 2 : i32
      %parallel_loop3A_534 = arith.index_cast %parallel_loop3A_533 : i32 to index
      %parallel_loop3A_535 = arith.index_cast %parallel_loop3A_451 : i32 to index
      %parallel_loop3A_536 = arith.constant 112 : index
      %parallel_loop3A_537 = tpu.vector_load %arg7[%parallel_loop3A_534, %parallel_loop3A_535, %parallel_loop3A_536] {strides = array<i32>} : memref<4x64x128xf32, #tpu.memory_space<vmem>>, vector<1x1x16xf32>,
      %parallel_loop3A_538 = vector.shape_cast %parallel_loop3A_537 : vector<1x1x16xf32> to vector<16xf32>
      %parallel_loop3A_539 = vector.shape_cast %parallel_loop3A_532 : vector<16xf32> to vector<1x1x16xf32>
      tpu.vector_store %arg7[%parallel_loop3A_534, %parallel_loop3A_535, %parallel_loop3A_536], %parallel_loop3A_539 {add = true, strides = array<i32>} : memref<4x64x128xf32, #tpu.memory_space<vmem>>, vector<1x1x16xf32>,
    } {sc.loop_unroll_factor = 1 : i64, sc.parallel_access}
    %dma_start3A_280 = arith.constant 2 : i32
    %dma_start3A_281 = arith.constant 2 : i32
    %dma_start3A_282 = arith.constant 2 : i32
    %dma_start3A_283 = arith.constant 0 : i32
    %dma_start3A_284 = arith.constant 0 : i32
    %dma_start3A_285 = tpu.memref_slice %arg7[%dma_start3A_280, %dma_start3A_283, %dma_start3A_284] : memref<4x64x128xf32, #tpu.memory_space<vmem>> -> memref<1x64x128xf32, #tpu.memory_space<vmem>>
    %dma_start3A_286 = tpu.memref_squeeze %dma_start3A_285 : memref<1x64x128xf32, #tpu.memory_space<vmem>> -> memref<64x128xf32, #tpu.memory_space<vmem>>
    %dma_start3A_287 = arith.constant 0 : i32
    %dma_start3A_288 = tpu.memref_slice %arg5[%dma_start3A_281, %mul3A_2, %dma_start3A_287] : memref<4x2048x128xf32, #tpu.memory_space<hbm>> -> memref<1x64x128xf32, #tpu.memory_space<hbm>>
    %dma_start3A_289 = tpu.memref_squeeze %dma_start3A_288 : memref<1x64x128xf32, #tpu.memory_space<hbm>> -> memref<64x128xf32, #tpu.memory_space<hbm>>
    %dma_start3A_290 = tpu.memref_slice %arg11[%dma_start3A_282] : memref<4x!tpu.dma_semaphore, #tpu.memory_space<semaphore_mem>> -> memref<1x!tpu.dma_semaphore, #tpu.memory_space<semaphore_mem>>
    %dma_start3A_291 = tpu.memref_squeeze %dma_start3A_290 : memref<1x!tpu.dma_semaphore, #tpu.memory_space<semaphore_mem>> -> memref<!tpu.dma_semaphore, #tpu.memory_space<semaphore_mem>>
    %dma_start3A_292 = arith.constant 0 : i32
    %dma_start3A_293 = tpu.memref_slice %arg5[%dma_start3A_281, %mul3A_2, %dma_start3A_292] : memref<4x2048x128xf32, #tpu.memory_space<hbm>> -> memref<1x64x128xf32, #tpu.memory_space<hbm>>
    %dma_start3A_294 = tpu.memref_squeeze %dma_start3A_293 : memref<1x64x128xf32, #tpu.memory_space<hbm>> -> memref<64x128xf32, #tpu.memory_space<hbm>>
    %dma_start3A_295 = arith.constant 0 : i32
    %dma_start3A_296 = arith.constant 0 : i32
    %dma_start3A_297 = tpu.memref_slice %arg7[%dma_start3A_280, %dma_start3A_295, %dma_start3A_296] : memref<4x64x128xf32, #tpu.memory_space<vmem>> -> memref<1x64x128xf32, #tpu.memory_space<vmem>>
    %dma_start3A_298 = tpu.memref_squeeze %dma_start3A_297 : memref<1x64x128xf32, #tpu.memory_space<vmem>> -> memref<64x128xf32, #tpu.memory_space<vmem>>
    tpu.enqueue_dma source(%dma_start3A_298 : memref<64x128xf32, #tpu.memory_space<vmem>>) target(%dma_start3A_294 : memref<64x128xf32, #tpu.memory_space<hbm>>) target_semaphore(%dma_start3A_291 : memref<!tpu.dma_semaphore, #tpu.memory_space<semaphore_mem>>)
    %dma_wait3A_299 = arith.constant 3 : i32
    %dma_wait3A_300 = arith.constant 3 : i32
    %dma_wait3A_301 = arith.constant 3 : i32
    %dma_wait3A_302 = arith.constant 0 : i32
    %dma_wait3A_303 = arith.constant 0 : i32
    %dma_wait3A_304 = tpu.memref_slice %arg7[%dma_wait3A_300, %dma_wait3A_302, %dma_wait3A_303] : memref<4x64x128xf32, #tpu.memory_space<vmem>> -> memref<1x64x128xf32, #tpu.memory_space<vmem>>
    %dma_wait3A_305 = tpu.memref_squeeze %dma_wait3A_304 : memref<1x64x128xf32, #tpu.memory_space<vmem>> -> memref<64x128xf32, #tpu.memory_space<vmem>>
    %dma_wait3A_306 = arith.constant 0 : i32
    %dma_wait3A_307 = tpu.memref_slice %arg6[%dma_wait3A_299, %dma_wait3A_306] : memref<4x64xi32, #tpu.memory_space<vmem>> -> memref<1x64xi32, #tpu.memory_space<vmem>>
    %dma_wait3A_308 = tpu.memref_squeeze %dma_wait3A_307 : memref<1x64xi32, #tpu.memory_space<vmem>> -> memref<64xi32, #tpu.memory_space<vmem>>
    %dma_wait3A_309 = arith.constant 0 : i32
    %dma_wait3A_310 = arith.constant 0 : i32
    %dma_wait3A_311 = tpu.memref_slice %arg3[%dma_wait3A_309, %dma_wait3A_310] : memref<100000x128xf32, #tpu.memory_space<hbm>> -> memref<100000x128xf32, #tpu.memory_space<hbm>>
    %dma_wait3A_312 = tpu.memref_slice %arg10[%dma_wait3A_301] : memref<4x!tpu.dma_semaphore, #tpu.memory_space<semaphore_mem>> -> memref<1x!tpu.dma_semaphore, #tpu.memory_space<semaphore_mem>>
    %dma_wait3A_313 = tpu.memref_squeeze %dma_wait3A_312 : memref<1x!tpu.dma_semaphore, #tpu.memory_space<semaphore_mem>> -> memref<!tpu.dma_semaphore, #tpu.memory_space<semaphore_mem>>
    tpu.wait_indirect_dma semaphore(%dma_wait3A_313 : memref<!tpu.dma_semaphore, #tpu.memory_space<semaphore_mem>>) src(%dma_wait3A_311 : memref<100000x128xf32, #tpu.memory_space<hbm>>) dst(%dma_wait3A_305 : memref<64x128xf32, #tpu.memory_space<vmem>>)
    %parallel_loop3A_314 = arith.constant 0 : i32
    %parallel_loop3A_315 = arith.constant 32 : i32
    %parallel_loop3A_316 = arith.constant 1 : i32
    scf.for %parallel_loop3A_449 = %parallel_loop3A_314 to %parallel_loop3A_315 step %parallel_loop3A_316  : i32 {
      %parallel_loop3A_450 = arith.constant 0 : i32
      %parallel_loop3A_451 = arith.addi %parallel_loop3A_450, %parallel_loop3A_449 : i32
      %parallel_loop3A_452 = arith.index_cast %parallel_loop3A_451 : i32 to index
      %parallel_loop3A_453 = arith.constant 0 : index
      %parallel_loop3A_454 = tpu.vector_load %arg8[%parallel_loop3A_452, %parallel_loop3A_453] {strides = array<i32>} : memref<64x128xf32, #tpu.memory_space<vmem>>, vector<1x16xf32>,
      %parallel_loop3A_455 = vector.shape_cast %parallel_loop3A_454 : vector<1x16xf32> to vector<16xf32>
      %parallel_loop3A_456 = arith.constant 3 : i32
      %parallel_loop3A_457 = arith.index_cast %parallel_loop3A_456 : i32 to index
      %parallel_loop3A_458 = arith.index_cast %parallel_loop3A_451 : i32 to index
      %parallel_loop3A_459 = arith.constant 0 : index
      %parallel_loop3A_460 = tpu.vector_load %arg7[%parallel_loop3A_457, %parallel_loop3A_458, %parallel_loop3A_459] {strides = array<i32>} : memref<4x64x128xf32, #tpu.memory_space<vmem>>, vector<1x1x16xf32>,
      %parallel_loop3A_461 = vector.shape_cast %parallel_loop3A_460 : vector<1x1x16xf32> to vector<16xf32>
      %parallel_loop3A_462 = vector.shape_cast %parallel_loop3A_455 : vector<16xf32> to vector<1x1x16xf32>
      tpu.vector_store %arg7[%parallel_loop3A_457, %parallel_loop3A_458, %parallel_loop3A_459], %parallel_loop3A_462 {add = true, strides = array<i32>} : memref<4x64x128xf32, #tpu.memory_space<vmem>>, vector<1x1x16xf32>,
      %parallel_loop3A_463 = arith.index_cast %parallel_loop3A_451 : i32 to index
      %parallel_loop3A_464 = arith.constant 16 : index
      %parallel_loop3A_465 = tpu.vector_load %arg8[%parallel_loop3A_463, %parallel_loop3A_464] {strides = array<i32>} : memref<64x128xf32, #tpu.memory_space<vmem>>, vector<1x16xf32>,
      %parallel_loop3A_466 = vector.shape_cast %parallel_loop3A_465 : vector<1x16xf32> to vector<16xf32>
      %parallel_loop3A_467 = arith.constant 3 : i32
      %parallel_loop3A_468 = arith.index_cast %parallel_loop3A_467 : i32 to index
      %parallel_loop3A_469 = arith.index_cast %parallel_loop3A_451 : i32 to index
      %parallel_loop3A_470 = arith.constant 16 : index
      %parallel_loop3A_471 = tpu.vector_load %arg7[%parallel_loop3A_468, %parallel_loop3A_469, %parallel_loop3A_470] {strides = array<i32>} : memref<4x64x128xf32, #tpu.memory_space<vmem>>, vector<1x1x16xf32>,
      %parallel_loop3A_472 = vector.shape_cast %parallel_loop3A_471 : vector<1x1x16xf32> to vector<16xf32>
      %parallel_loop3A_473 = vector.shape_cast %parallel_loop3A_466 : vector<16xf32> to vector<1x1x16xf32>
      tpu.vector_store %arg7[%parallel_loop3A_468, %parallel_loop3A_469, %parallel_loop3A_470], %parallel_loop3A_473 {add = true, strides = array<i32>} : memref<4x64x128xf32, #tpu.memory_space<vmem>>, vector<1x1x16xf32>,
      %parallel_loop3A_474 = arith.index_cast %parallel_loop3A_451 : i32 to index
      %parallel_loop3A_475 = arith.constant 32 : index
      %parallel_loop3A_476 = tpu.vector_load %arg8[%parallel_loop3A_474, %parallel_loop3A_475] {strides = array<i32>} : memref<64x128xf32, #tpu.memory_space<vmem>>, vector<1x16xf32>,
      %parallel_loop3A_477 = vector.shape_cast %parallel_loop3A_476 : vector<1x16xf32> to vector<16xf32>
      %parallel_loop3A_478 = arith.constant 3 : i32
      %parallel_loop3A_479 = arith.index_cast %parallel_loop3A_478 : i32 to index
      %parallel_loop3A_480 = arith.index_cast %parallel_loop3A_451 : i32 to index
      %parallel_loop3A_481 = arith.constant 32 : index
      %parallel_loop3A_482 = tpu.vector_load %arg7[%parallel_loop3A_479, %parallel_loop3A_480, %parallel_loop3A_481] {strides = array<i32>} : memref<4x64x128xf32, #tpu.memory_space<vmem>>, vector<1x1x16xf32>,
      %parallel_loop3A_483 = vector.shape_cast %parallel_loop3A_482 : vector<1x1x16xf32> to vector<16xf32>
      %parallel_loop3A_484 = vector.shape_cast %parallel_loop3A_477 : vector<16xf32> to vector<1x1x16xf32>
      tpu.vector_store %arg7[%parallel_loop3A_479, %parallel_loop3A_480, %parallel_loop3A_481], %parallel_loop3A_484 {add = true, strides = array<i32>} : memref<4x64x128xf32, #tpu.memory_space<vmem>>, vector<1x1x16xf32>,
      %parallel_loop3A_485 = arith.index_cast %parallel_loop3A_451 : i32 to index
      %parallel_loop3A_486 = arith.constant 48 : index
      %parallel_loop3A_487 = tpu.vector_load %arg8[%parallel_loop3A_485, %parallel_loop3A_486] {strides = array<i32>} : memref<64x128xf32, #tpu.memory_space<vmem>>, vector<1x16xf32>,
      %parallel_loop3A_488 = vector.shape_cast %parallel_loop3A_487 : vector<1x16xf32> to vector<16xf32>
      %parallel_loop3A_489 = arith.constant 3 : i32
      %parallel_loop3A_490 = arith.index_cast %parallel_loop3A_489 : i32 to index
      %parallel_loop3A_491 = arith.index_cast %parallel_loop3A_451 : i32 to index
      %parallel_loop3A_492 = arith.constant 48 : index
      %parallel_loop3A_493 = tpu.vector_load %arg7[%parallel_loop3A_490, %parallel_loop3A_491, %parallel_loop3A_492] {strides = array<i32>} : memref<4x64x128xf32, #tpu.memory_space<vmem>>, vector<1x1x16xf32>,
      %parallel_loop3A_494 = vector.shape_cast %parallel_loop3A_493 : vector<1x1x16xf32> to vector<16xf32>
      %parallel_loop3A_495 = vector.shape_cast %parallel_loop3A_488 : vector<16xf32> to vector<1x1x16xf32>
      tpu.vector_store %arg7[%parallel_loop3A_490, %parallel_loop3A_491, %parallel_loop3A_492], %parallel_loop3A_495 {add = true, strides = array<i32>} : memref<4x64x128xf32, #tpu.memory_space<vmem>>, vector<1x1x16xf32>,
      %parallel_loop3A_496 = arith.index_cast %parallel_loop3A_451 : i32 to index
      %parallel_loop3A_497 = arith.constant 64 : index
      %parallel_loop3A_498 = tpu.vector_load %arg8[%parallel_loop3A_496, %parallel_loop3A_497] {strides = array<i32>} : memref<64x128xf32, #tpu.memory_space<vmem>>, vector<1x16xf32>,
      %parallel_loop3A_499 = vector.shape_cast %parallel_loop3A_498 : vector<1x16xf32> to vector<16xf32>
      %parallel_loop3A_500 = arith.constant 3 : i32
      %parallel_loop3A_501 = arith.index_cast %parallel_loop3A_500 : i32 to index
      %parallel_loop3A_502 = arith.index_cast %parallel_loop3A_451 : i32 to index
      %parallel_loop3A_503 = arith.constant 64 : index
      %parallel_loop3A_504 = tpu.vector_load %arg7[%parallel_loop3A_501, %parallel_loop3A_502, %parallel_loop3A_503] {strides = array<i32>} : memref<4x64x128xf32, #tpu.memory_space<vmem>>, vector<1x1x16xf32>,
      %parallel_loop3A_505 = vector.shape_cast %parallel_loop3A_504 : vector<1x1x16xf32> to vector<16xf32>
      %parallel_loop3A_506 = vector.shape_cast %parallel_loop3A_499 : vector<16xf32> to vector<1x1x16xf32>
      tpu.vector_store %arg7[%parallel_loop3A_501, %parallel_loop3A_502, %parallel_loop3A_503], %parallel_loop3A_506 {add = true, strides = array<i32>} : memref<4x64x128xf32, #tpu.memory_space<vmem>>, vector<1x1x16xf32>,
      %parallel_loop3A_507 = arith.index_cast %parallel_loop3A_451 : i32 to index
      %parallel_loop3A_508 = arith.constant 80 : index
      %parallel_loop3A_509 = tpu.vector_load %arg8[%parallel_loop3A_507, %parallel_loop3A_508] {strides = array<i32>} : memref<64x128xf32, #tpu.memory_space<vmem>>, vector<1x16xf32>,
      %parallel_loop3A_510 = vector.shape_cast %parallel_loop3A_509 : vector<1x16xf32> to vector<16xf32>
      %parallel_loop3A_511 = arith.constant 3 : i32
      %parallel_loop3A_512 = arith.index_cast %parallel_loop3A_511 : i32 to index
      %parallel_loop3A_513 = arith.index_cast %parallel_loop3A_451 : i32 to index
      %parallel_loop3A_514 = arith.constant 80 : index
      %parallel_loop3A_515 = tpu.vector_load %arg7[%parallel_loop3A_512, %parallel_loop3A_513, %parallel_loop3A_514] {strides = array<i32>} : memref<4x64x128xf32, #tpu.memory_space<vmem>>, vector<1x1x16xf32>,
      %parallel_loop3A_516 = vector.shape_cast %parallel_loop3A_515 : vector<1x1x16xf32> to vector<16xf32>
      %parallel_loop3A_517 = vector.shape_cast %parallel_loop3A_510 : vector<16xf32> to vector<1x1x16xf32>
      tpu.vector_store %arg7[%parallel_loop3A_512, %parallel_loop3A_513, %parallel_loop3A_514], %parallel_loop3A_517 {add = true, strides = array<i32>} : memref<4x64x128xf32, #tpu.memory_space<vmem>>, vector<1x1x16xf32>,
      %parallel_loop3A_518 = arith.index_cast %parallel_loop3A_451 : i32 to index
      %parallel_loop3A_519 = arith.constant 96 : index
      %parallel_loop3A_520 = tpu.vector_load %arg8[%parallel_loop3A_518, %parallel_loop3A_519] {strides = array<i32>} : memref<64x128xf32, #tpu.memory_space<vmem>>, vector<1x16xf32>,
      %parallel_loop3A_521 = vector.shape_cast %parallel_loop3A_520 : vector<1x16xf32> to vector<16xf32>
      %parallel_loop3A_522 = arith.constant 3 : i32
      %parallel_loop3A_523 = arith.index_cast %parallel_loop3A_522 : i32 to index
      %parallel_loop3A_524 = arith.index_cast %parallel_loop3A_451 : i32 to index
      %parallel_loop3A_525 = arith.constant 96 : index
      %parallel_loop3A_526 = tpu.vector_load %arg7[%parallel_loop3A_523, %parallel_loop3A_524, %parallel_loop3A_525] {strides = array<i32>} : memref<4x64x128xf32, #tpu.memory_space<vmem>>, vector<1x1x16xf32>,
      %parallel_loop3A_527 = vector.shape_cast %parallel_loop3A_526 : vector<1x1x16xf32> to vector<16xf32>
      %parallel_loop3A_528 = vector.shape_cast %parallel_loop3A_521 : vector<16xf32> to vector<1x1x16xf32>
      tpu.vector_store %arg7[%parallel_loop3A_523, %parallel_loop3A_524, %parallel_loop3A_525], %parallel_loop3A_528 {add = true, strides = array<i32>} : memref<4x64x128xf32, #tpu.memory_space<vmem>>, vector<1x1x16xf32>,
      %parallel_loop3A_529 = arith.index_cast %parallel_loop3A_451 : i32 to index
      %parallel_loop3A_530 = arith.constant 112 : index
      %parallel_loop3A_531 = tpu.vector_load %arg8[%parallel_loop3A_529, %parallel_loop3A_530] {strides = array<i32>} : memref<64x128xf32, #tpu.memory_space<vmem>>, vector<1x16xf32>,
      %parallel_loop3A_532 = vector.shape_cast %parallel_loop3A_531 : vector<1x16xf32> to vector<16xf32>
      %parallel_loop3A_533 = arith.constant 3 : i32
      %parallel_loop3A_534 = arith.index_cast %parallel_loop3A_533 : i32 to index
      %parallel_loop3A_535 = arith.index_cast %parallel_loop3A_451 : i32 to index
      %parallel_loop3A_536 = arith.constant 112 : index
      %parallel_loop3A_537 = tpu.vector_load %arg7[%parallel_loop3A_534, %parallel_loop3A_535, %parallel_loop3A_536] {strides = array<i32>} : memref<4x64x128xf32, #tpu.memory_space<vmem>>, vector<1x1x16xf32>,
      %parallel_loop3A_538 = vector.shape_cast %parallel_loop3A_537 : vector<1x1x16xf32> to vector<16xf32>
      %parallel_loop3A_539 = vector.shape_cast %parallel_loop3A_532 : vector<16xf32> to vector<1x1x16xf32>
      tpu.vector_store %arg7[%parallel_loop3A_534, %parallel_loop3A_535, %parallel_loop3A_536], %parallel_loop3A_539 {add = true, strides = array<i32>} : memref<4x64x128xf32, #tpu.memory_space<vmem>>, vector<1x1x16xf32>,
    } {sc.loop_unroll_factor = 1 : i64, sc.parallel_access}
    %dma_start3A_317 = arith.constant 3 : i32
    %dma_start3A_318 = arith.constant 3 : i32
    %dma_start3A_319 = arith.constant 3 : i32
    %dma_start3A_320 = arith.constant 0 : i32
    %dma_start3A_321 = arith.constant 0 : i32
    %dma_start3A_322 = tpu.memref_slice %arg7[%dma_start3A_317, %dma_start3A_320, %dma_start3A_321] : memref<4x64x128xf32, #tpu.memory_space<vmem>> -> memref<1x32x128xf32, #tpu.memory_space<vmem>>
    %dma_start3A_323 = tpu.memref_squeeze %dma_start3A_322 : memref<1x32x128xf32, #tpu.memory_space<vmem>> -> memref<32x128xf32, #tpu.memory_space<vmem>>
    %dma_start3A_324 = arith.constant 0 : i32
    %dma_start3A_325 = tpu.memref_slice %arg5[%dma_start3A_318, %mul3A_2, %dma_start3A_324] : memref<4x2048x128xf32, #tpu.memory_space<hbm>> -> memref<1x32x128xf32, #tpu.memory_space<hbm>>
    %dma_start3A_326 = tpu.memref_squeeze %dma_start3A_325 : memref<1x32x128xf32, #tpu.memory_space<hbm>> -> memref<32x128xf32, #tpu.memory_space<hbm>>
    %dma_start3A_327 = tpu.memref_slice %arg11[%dma_start3A_319] : memref<4x!tpu.dma_semaphore, #tpu.memory_space<semaphore_mem>> -> memref<1x!tpu.dma_semaphore, #tpu.memory_space<semaphore_mem>>
    %dma_start3A_328 = tpu.memref_squeeze %dma_start3A_327 : memref<1x!tpu.dma_semaphore, #tpu.memory_space<semaphore_mem>> -> memref<!tpu.dma_semaphore, #tpu.memory_space<semaphore_mem>>
    %dma_start3A_329 = arith.constant 0 : i32
    %dma_start3A_330 = tpu.memref_slice %arg5[%dma_start3A_318, %mul3A_2, %dma_start3A_329] : memref<4x2048x128xf32, #tpu.memory_space<hbm>> -> memref<1x32x128xf32, #tpu.memory_space<hbm>>
    %dma_start3A_331 = tpu.memref_squeeze %dma_start3A_330 : memref<1x32x128xf32, #tpu.memory_space<hbm>> -> memref<32x128xf32, #tpu.memory_space<hbm>>
    %dma_start3A_332 = arith.constant 0 : i32
    %dma_start3A_333 = arith.constant 0 : i32
    %dma_start3A_334 = tpu.memref_slice %arg7[%dma_start3A_317, %dma_start3A_332, %dma_start3A_333] : memref<4x64x128xf32, #tpu.memory_space<vmem>> -> memref<1x32x128xf32, #tpu.memory_space<vmem>>
    %dma_start3A_335 = tpu.memref_squeeze %dma_start3A_334 : memref<1x32x128xf32, #tpu.memory_space<vmem>> -> memref<32x128xf32, #tpu.memory_space<vmem>>
    tpu.enqueue_dma source(%dma_start3A_335 : memref<32x128xf32, #tpu.memory_space<vmem>>) target(%dma_start3A_331 : memref<32x128xf32, #tpu.memory_space<hbm>>) target_semaphore(%dma_start3A_328 : memref<!tpu.dma_semaphore, #tpu.memory_space<semaphore_mem>>)
    %parallel_loop3A_336 = arith.constant 0 : i32
    %parallel_loop3A_337 = arith.constant 32 : i32
    %parallel_loop3A_338 = arith.constant 1 : i32
    scf.for %parallel_loop3A_449 = %parallel_loop3A_336 to %parallel_loop3A_337 step %parallel_loop3A_338  : i32 {
      %parallel_loop3A_450 = arith.constant 32 : i32
      %parallel_loop3A_451 = arith.addi %parallel_loop3A_450, %parallel_loop3A_449 : i32
      %parallel_loop3A_452 = arith.index_cast %parallel_loop3A_451 : i32 to index
      %parallel_loop3A_453 = arith.constant 0 : index
      %parallel_loop3A_454 = tpu.vector_load %arg8[%parallel_loop3A_452, %parallel_loop3A_453] {strides = array<i32>} : memref<64x128xf32, #tpu.memory_space<vmem>>, vector<1x16xf32>,
      %parallel_loop3A_455 = vector.shape_cast %parallel_loop3A_454 : vector<1x16xf32> to vector<16xf32>
      %parallel_loop3A_456 = arith.constant 3 : i32
      %parallel_loop3A_457 = arith.index_cast %parallel_loop3A_456 : i32 to index
      %parallel_loop3A_458 = arith.index_cast %parallel_loop3A_451 : i32 to index
      %parallel_loop3A_459 = arith.constant 0 : index
      %parallel_loop3A_460 = tpu.vector_load %arg7[%parallel_loop3A_457, %parallel_loop3A_458, %parallel_loop3A_459] {strides = array<i32>} : memref<4x64x128xf32, #tpu.memory_space<vmem>>, vector<1x1x16xf32>,
      %parallel_loop3A_461 = vector.shape_cast %parallel_loop3A_460 : vector<1x1x16xf32> to vector<16xf32>
      %parallel_loop3A_462 = vector.shape_cast %parallel_loop3A_455 : vector<16xf32> to vector<1x1x16xf32>
      tpu.vector_store %arg7[%parallel_loop3A_457, %parallel_loop3A_458, %parallel_loop3A_459], %parallel_loop3A_462 {add = true, strides = array<i32>} : memref<4x64x128xf32, #tpu.memory_space<vmem>>, vector<1x1x16xf32>,
      %parallel_loop3A_463 = arith.index_cast %parallel_loop3A_451 : i32 to index
      %parallel_loop3A_464 = arith.constant 16 : index
      %parallel_loop3A_465 = tpu.vector_load %arg8[%parallel_loop3A_463, %parallel_loop3A_464] {strides = array<i32>} : memref<64x128xf32, #tpu.memory_space<vmem>>, vector<1x16xf32>,
      %parallel_loop3A_466 = vector.shape_cast %parallel_loop3A_465 : vector<1x16xf32> to vector<16xf32>
      %parallel_loop3A_467 = arith.constant 3 : i32
      %parallel_loop3A_468 = arith.index_cast %parallel_loop3A_467 : i32 to index
      %parallel_loop3A_469 = arith.index_cast %parallel_loop3A_451 : i32 to index
      %parallel_loop3A_470 = arith.constant 16 : index
      %parallel_loop3A_471 = tpu.vector_load %arg7[%parallel_loop3A_468, %parallel_loop3A_469, %parallel_loop3A_470] {strides = array<i32>} : memref<4x64x128xf32, #tpu.memory_space<vmem>>, vector<1x1x16xf32>,
      %parallel_loop3A_472 = vector.shape_cast %parallel_loop3A_471 : vector<1x1x16xf32> to vector<16xf32>
      %parallel_loop3A_473 = vector.shape_cast %parallel_loop3A_466 : vector<16xf32> to vector<1x1x16xf32>
      tpu.vector_store %arg7[%parallel_loop3A_468, %parallel_loop3A_469, %parallel_loop3A_470], %parallel_loop3A_473 {add = true, strides = array<i32>} : memref<4x64x128xf32, #tpu.memory_space<vmem>>, vector<1x1x16xf32>,
      %parallel_loop3A_474 = arith.index_cast %parallel_loop3A_451 : i32 to index
      %parallel_loop3A_475 = arith.constant 32 : index
      %parallel_loop3A_476 = tpu.vector_load %arg8[%parallel_loop3A_474, %parallel_loop3A_475] {strides = array<i32>} : memref<64x128xf32, #tpu.memory_space<vmem>>, vector<1x16xf32>,
      %parallel_loop3A_477 = vector.shape_cast %parallel_loop3A_476 : vector<1x16xf32> to vector<16xf32>
      %parallel_loop3A_478 = arith.constant 3 : i32
      %parallel_loop3A_479 = arith.index_cast %parallel_loop3A_478 : i32 to index
      %parallel_loop3A_480 = arith.index_cast %parallel_loop3A_451 : i32 to index
      %parallel_loop3A_481 = arith.constant 32 : index
      %parallel_loop3A_482 = tpu.vector_load %arg7[%parallel_loop3A_479, %parallel_loop3A_480, %parallel_loop3A_481] {strides = array<i32>} : memref<4x64x128xf32, #tpu.memory_space<vmem>>, vector<1x1x16xf32>,
      %parallel_loop3A_483 = vector.shape_cast %parallel_loop3A_482 : vector<1x1x16xf32> to vector<16xf32>
      %parallel_loop3A_484 = vector.shape_cast %parallel_loop3A_477 : vector<16xf32> to vector<1x1x16xf32>
      tpu.vector_store %arg7[%parallel_loop3A_479, %parallel_loop3A_480, %parallel_loop3A_481], %parallel_loop3A_484 {add = true, strides = array<i32>} : memref<4x64x128xf32, #tpu.memory_space<vmem>>, vector<1x1x16xf32>,
      %parallel_loop3A_485 = arith.index_cast %parallel_loop3A_451 : i32 to index
      %parallel_loop3A_486 = arith.constant 48 : index
      %parallel_loop3A_487 = tpu.vector_load %arg8[%parallel_loop3A_485, %parallel_loop3A_486] {strides = array<i32>} : memref<64x128xf32, #tpu.memory_space<vmem>>, vector<1x16xf32>,
      %parallel_loop3A_488 = vector.shape_cast %parallel_loop3A_487 : vector<1x16xf32> to vector<16xf32>
      %parallel_loop3A_489 = arith.constant 3 : i32
      %parallel_loop3A_490 = arith.index_cast %parallel_loop3A_489 : i32 to index
      %parallel_loop3A_491 = arith.index_cast %parallel_loop3A_451 : i32 to index
      %parallel_loop3A_492 = arith.constant 48 : index
      %parallel_loop3A_493 = tpu.vector_load %arg7[%parallel_loop3A_490, %parallel_loop3A_491, %parallel_loop3A_492] {strides = array<i32>} : memref<4x64x128xf32, #tpu.memory_space<vmem>>, vector<1x1x16xf32>,
      %parallel_loop3A_494 = vector.shape_cast %parallel_loop3A_493 : vector<1x1x16xf32> to vector<16xf32>
      %parallel_loop3A_495 = vector.shape_cast %parallel_loop3A_488 : vector<16xf32> to vector<1x1x16xf32>
      tpu.vector_store %arg7[%parallel_loop3A_490, %parallel_loop3A_491, %parallel_loop3A_492], %parallel_loop3A_495 {add = true, strides = array<i32>} : memref<4x64x128xf32, #tpu.memory_space<vmem>>, vector<1x1x16xf32>,
      %parallel_loop3A_496 = arith.index_cast %parallel_loop3A_451 : i32 to index
      %parallel_loop3A_497 = arith.constant 64 : index
      %parallel_loop3A_498 = tpu.vector_load %arg8[%parallel_loop3A_496, %parallel_loop3A_497] {strides = array<i32>} : memref<64x128xf32, #tpu.memory_space<vmem>>, vector<1x16xf32>,
      %parallel_loop3A_499 = vector.shape_cast %parallel_loop3A_498 : vector<1x16xf32> to vector<16xf32>
      %parallel_loop3A_500 = arith.constant 3 : i32
      %parallel_loop3A_501 = arith.index_cast %parallel_loop3A_500 : i32 to index
      %parallel_loop3A_502 = arith.index_cast %parallel_loop3A_451 : i32 to index
      %parallel_loop3A_503 = arith.constant 64 : index
      %parallel_loop3A_504 = tpu.vector_load %arg7[%parallel_loop3A_501, %parallel_loop3A_502, %parallel_loop3A_503] {strides = array<i32>} : memref<4x64x128xf32, #tpu.memory_space<vmem>>, vector<1x1x16xf32>,
      %parallel_loop3A_505 = vector.shape_cast %parallel_loop3A_504 : vector<1x1x16xf32> to vector<16xf32>
      %parallel_loop3A_506 = vector.shape_cast %parallel_loop3A_499 : vector<16xf32> to vector<1x1x16xf32>
      tpu.vector_store %arg7[%parallel_loop3A_501, %parallel_loop3A_502, %parallel_loop3A_503], %parallel_loop3A_506 {add = true, strides = array<i32>} : memref<4x64x128xf32, #tpu.memory_space<vmem>>, vector<1x1x16xf32>,
      %parallel_loop3A_507 = arith.index_cast %parallel_loop3A_451 : i32 to index
      %parallel_loop3A_508 = arith.constant 80 : index
      %parallel_loop3A_509 = tpu.vector_load %arg8[%parallel_loop3A_507, %parallel_loop3A_508] {strides = array<i32>} : memref<64x128xf32, #tpu.memory_space<vmem>>, vector<1x16xf32>,
      %parallel_loop3A_510 = vector.shape_cast %parallel_loop3A_509 : vector<1x16xf32> to vector<16xf32>
      %parallel_loop3A_511 = arith.constant 3 : i32
      %parallel_loop3A_512 = arith.index_cast %parallel_loop3A_511 : i32 to index
      %parallel_loop3A_513 = arith.index_cast %parallel_loop3A_451 : i32 to index
      %parallel_loop3A_514 = arith.constant 80 : index
      %parallel_loop3A_515 = tpu.vector_load %arg7[%parallel_loop3A_512, %parallel_loop3A_513, %parallel_loop3A_514] {strides = array<i32>} : memref<4x64x128xf32, #tpu.memory_space<vmem>>, vector<1x1x16xf32>,
      %parallel_loop3A_516 = vector.shape_cast %parallel_loop3A_515 : vector<1x1x16xf32> to vector<16xf32>
      %parallel_loop3A_517 = vector.shape_cast %parallel_loop3A_510 : vector<16xf32> to vector<1x1x16xf32>
      tpu.vector_store %arg7[%parallel_loop3A_512, %parallel_loop3A_513, %parallel_loop3A_514], %parallel_loop3A_517 {add = true, strides = array<i32>} : memref<4x64x128xf32, #tpu.memory_space<vmem>>, vector<1x1x16xf32>,
      %parallel_loop3A_518 = arith.index_cast %parallel_loop3A_451 : i32 to index
      %parallel_loop3A_519 = arith.constant 96 : index
      %parallel_loop3A_520 = tpu.vector_load %arg8[%parallel_loop3A_518, %parallel_loop3A_519] {strides = array<i32>} : memref<64x128xf32, #tpu.memory_space<vmem>>, vector<1x16xf32>,
      %parallel_loop3A_521 = vector.shape_cast %parallel_loop3A_520 : vector<1x16xf32> to vector<16xf32>
      %parallel_loop3A_522 = arith.constant 3 : i32
      %parallel_loop3A_523 = arith.index_cast %parallel_loop3A_522 : i32 to index
      %parallel_loop3A_524 = arith.index_cast %parallel_loop3A_451 : i32 to index
      %parallel_loop3A_525 = arith.constant 96 : index
      %parallel_loop3A_526 = tpu.vector_load %arg7[%parallel_loop3A_523, %parallel_loop3A_524, %parallel_loop3A_525] {strides = array<i32>} : memref<4x64x128xf32, #tpu.memory_space<vmem>>, vector<1x1x16xf32>,
      %parallel_loop3A_527 = vector.shape_cast %parallel_loop3A_526 : vector<1x1x16xf32> to vector<16xf32>
      %parallel_loop3A_528 = vector.shape_cast %parallel_loop3A_521 : vector<16xf32> to vector<1x1x16xf32>
      tpu.vector_store %arg7[%parallel_loop3A_523, %parallel_loop3A_524, %parallel_loop3A_525], %parallel_loop3A_528 {add = true, strides = array<i32>} : memref<4x64x128xf32, #tpu.memory_space<vmem>>, vector<1x1x16xf32>,
      %parallel_loop3A_529 = arith.index_cast %parallel_loop3A_451 : i32 to index
      %parallel_loop3A_530 = arith.constant 112 : index
      %parallel_loop3A_531 = tpu.vector_load %arg8[%parallel_loop3A_529, %parallel_loop3A_530] {strides = array<i32>} : memref<64x128xf32, #tpu.memory_space<vmem>>, vector<1x16xf32>,
      %parallel_loop3A_532 = vector.shape_cast %parallel_loop3A_531 : vector<1x16xf32> to vector<16xf32>
      %parallel_loop3A_533 = arith.constant 3 : i32
      %parallel_loop3A_534 = arith.index_cast %parallel_loop3A_533 : i32 to index
      %parallel_loop3A_535 = arith.index_cast %parallel_loop3A_451 : i32 to index
      %parallel_loop3A_536 = arith.constant 112 : index
      %parallel_loop3A_537 = tpu.vector_load %arg7[%parallel_loop3A_534, %parallel_loop3A_535, %parallel_loop3A_536] {strides = array<i32>} : memref<4x64x128xf32, #tpu.memory_space<vmem>>, vector<1x1x16xf32>,
      %parallel_loop3A_538 = vector.shape_cast %parallel_loop3A_537 : vector<1x1x16xf32> to vector<16xf32>
      %parallel_loop3A_539 = vector.shape_cast %parallel_loop3A_532 : vector<16xf32> to vector<1x1x16xf32>
      tpu.vector_store %arg7[%parallel_loop3A_534, %parallel_loop3A_535, %parallel_loop3A_536], %parallel_loop3A_539 {add = true, strides = array<i32>} : memref<4x64x128xf32, #tpu.memory_space<vmem>>, vector<1x1x16xf32>,
    } {sc.loop_unroll_factor = 1 : i64, sc.parallel_access}
    %add3A_339 = arith.constant 32 : i32
    %add3A_340 = arith.addi %mul3A_2, %add3A_339 : i32
    %dma_start3A_341 = arith.constant 3 : i32
    %dma_start3A_342 = arith.constant 3 : i32
    %dma_start3A_343 = arith.constant 32 : i32
    %dma_start3A_344 = arith.constant 0 : i32
    %dma_start3A_345 = tpu.memref_slice %arg7[%dma_start3A_341, %dma_start3A_343, %dma_start3A_344] : memref<4x64x128xf32, #tpu.memory_space<vmem>> -> memref<1x32x128xf32, #tpu.memory_space<vmem>>
    %dma_start3A_346 = tpu.memref_squeeze %dma_start3A_345 : memref<1x32x128xf32, #tpu.memory_space<vmem>> -> memref<32x128xf32, #tpu.memory_space<vmem>>
    %dma_start3A_347 = arith.constant 0 : i32
    %dma_start3A_348 = tpu.memref_slice %arg5[%dma_start3A_342, %add3A_340, %dma_start3A_347] : memref<4x2048x128xf32, #tpu.memory_space<hbm>> -> memref<1x32x128xf32, #tpu.memory_space<hbm>>
    %dma_start3A_349 = tpu.memref_squeeze %dma_start3A_348 : memref<1x32x128xf32, #tpu.memory_space<hbm>> -> memref<32x128xf32, #tpu.memory_space<hbm>>
    %dma_start3A_350 = arith.constant 0 : i32
    %dma_start3A_351 = tpu.memref_slice %arg5[%dma_start3A_342, %add3A_340, %dma_start3A_350] : memref<4x2048x128xf32, #tpu.memory_space<hbm>> -> memref<1x32x128xf32, #tpu.memory_space<hbm>>
    %dma_start3A_352 = tpu.memref_squeeze %dma_start3A_351 : memref<1x32x128xf32, #tpu.memory_space<hbm>> -> memref<32x128xf32, #tpu.memory_space<hbm>>
    %dma_start3A_353 = arith.constant 32 : i32
    %dma_start3A_354 = arith.constant 0 : i32
    %dma_start3A_355 = tpu.memref_slice %arg7[%dma_start3A_341, %dma_start3A_353, %dma_start3A_354] : memref<4x64x128xf32, #tpu.memory_space<vmem>> -> memref<1x32x128xf32, #tpu.memory_space<vmem>>
    %dma_start3A_356 = tpu.memref_squeeze %dma_start3A_355 : memref<1x32x128xf32, #tpu.memory_space<vmem>> -> memref<32x128xf32, #tpu.memory_space<vmem>>
    tpu.enqueue_dma source(%dma_start3A_356 : memref<32x128xf32, #tpu.memory_space<vmem>>) target(%dma_start3A_352 : memref<32x128xf32, #tpu.memory_space<hbm>>) target_semaphore(%arg9 : memref<!tpu.dma_semaphore, #tpu.memory_space<semaphore_mem>>)
    %dma_wait3A_357 = arith.constant 0 : i32
    %dma_wait3A_358 = arith.constant 0 : i32
    %dma_wait3A_359 = arith.constant 0 : i32
    %dma_wait3A_360 = arith.constant 0 : i32
    %dma_wait3A_361 = arith.constant 0 : i32
    %dma_wait3A_362 = tpu.memref_slice %arg7[%dma_wait3A_357, %dma_wait3A_360, %dma_wait3A_361] : memref<4x64x128xf32, #tpu.memory_space<vmem>> -> memref<1x64x128xf32, #tpu.memory_space<vmem>>
    %dma_wait3A_363 = tpu.memref_squeeze %dma_wait3A_362 : memref<1x64x128xf32, #tpu.memory_space<vmem>> -> memref<64x128xf32, #tpu.memory_space<vmem>>
    %dma_wait3A_364 = arith.constant 0 : i32
    %dma_wait3A_365 = tpu.memref_slice %arg5[%dma_wait3A_358, %mul3A_2, %dma_wait3A_364] : memref<4x2048x128xf32, #tpu.memory_space<hbm>> -> memref<1x64x128xf32, #tpu.memory_space<hbm>>
    %dma_wait3A_366 = tpu.memref_squeeze %dma_wait3A_365 : memref<1x64x128xf32, #tpu.memory_space<hbm>> -> memref<64x128xf32, #tpu.memory_space<hbm>>
    %dma_wait3A_367 = tpu.memref_slice %arg11[%dma_wait3A_359] : memref<4x!tpu.dma_semaphore, #tpu.memory_space<semaphore_mem>> -> memref<1x!tpu.dma_semaphore, #tpu.memory_space<semaphore_mem>>
    %dma_wait3A_368 = tpu.memref_squeeze %dma_wait3A_367 : memref<1x!tpu.dma_semaphore, #tpu.memory_space<semaphore_mem>> -> memref<!tpu.dma_semaphore, #tpu.memory_space<semaphore_mem>>
    %dma_wait3A_369 = arith.constant 0 : i32
    %dma_wait3A_370 = tpu.memref_slice %arg5[%dma_wait3A_358, %mul3A_2, %dma_wait3A_369] : memref<4x2048x128xf32, #tpu.memory_space<hbm>> -> memref<1x64x128xf32, #tpu.memory_space<hbm>>
    %dma_wait3A_371 = tpu.memref_squeeze %dma_wait3A_370 : memref<1x64x128xf32, #tpu.memory_space<hbm>> -> memref<64x128xf32, #tpu.memory_space<hbm>>
    %dma_wait3A_372 = arith.constant 0 : i32
    %dma_wait3A_373 = arith.constant 0 : i32
    %dma_wait3A_374 = tpu.memref_slice %arg7[%dma_wait3A_357, %dma_wait3A_372, %dma_wait3A_373] : memref<4x64x128xf32, #tpu.memory_space<vmem>> -> memref<1x64x128xf32, #tpu.memory_space<vmem>>
    %dma_wait3A_375 = tpu.memref_squeeze %dma_wait3A_374 : memref<1x64x128xf32, #tpu.memory_space<vmem>> -> memref<64x128xf32, #tpu.memory_space<vmem>>
    tpu.wait_dma2 semaphore(%dma_wait3A_368 : memref<!tpu.dma_semaphore, #tpu.memory_space<semaphore_mem>>) src(%dma_wait3A_375 : memref<64x128xf32, #tpu.memory_space<vmem>>) dst(%dma_wait3A_371 : memref<64x128xf32, #tpu.memory_space<hbm>>)
    %dma_wait3A_376 = arith.constant 1 : i32
    %dma_wait3A_377 = arith.constant 1 : i32
    %dma_wait3A_378 = arith.constant 1 : i32
    %dma_wait3A_379 = arith.constant 0 : i32
    %dma_wait3A_380 = arith.constant 0 : i32
    %dma_wait3A_381 = tpu.memref_slice %arg7[%dma_wait3A_376, %dma_wait3A_379, %dma_wait3A_380] : memref<4x64x128xf32, #tpu.memory_space<vmem>> -> memref<1x64x128xf32, #tpu.memory_space<vmem>>
    %dma_wait3A_382 = tpu.memref_squeeze %dma_wait3A_381 : memref<1x64x128xf32, #tpu.memory_space<vmem>> -> memref<64x128xf32, #tpu.memory_space<vmem>>
    %dma_wait3A_383 = arith.constant 0 : i32
    %dma_wait3A_384 = tpu.memref_slice %arg5[%dma_wait3A_377, %mul3A_2, %dma_wait3A_383] : memref<4x2048x128xf32, #tpu.memory_space<hbm>> -> memref<1x64x128xf32, #tpu.memory_space<hbm>>
    %dma_wait3A_385 = tpu.memref_squeeze %dma_wait3A_384 : memref<1x64x128xf32, #tpu.memory_space<hbm>> -> memref<64x128xf32, #tpu.memory_space<hbm>>
    %dma_wait3A_386 = tpu.memref_slice %arg11[%dma_wait3A_378] : memref<4x!tpu.dma_semaphore, #tpu.memory_space<semaphore_mem>> -> memref<1x!tpu.dma_semaphore, #tpu.memory_space<semaphore_mem>>
    %dma_wait3A_387 = tpu.memref_squeeze %dma_wait3A_386 : memref<1x!tpu.dma_semaphore, #tpu.memory_space<semaphore_mem>> -> memref<!tpu.dma_semaphore, #tpu.memory_space<semaphore_mem>>
    %dma_wait3A_388 = arith.constant 0 : i32
    %dma_wait3A_389 = tpu.memref_slice %arg5[%dma_wait3A_377, %mul3A_2, %dma_wait3A_388] : memref<4x2048x128xf32, #tpu.memory_space<hbm>> -> memref<1x64x128xf32, #tpu.memory_space<hbm>>
    %dma_wait3A_390 = tpu.memref_squeeze %dma_wait3A_389 : memref<1x64x128xf32, #tpu.memory_space<hbm>> -> memref<64x128xf32, #tpu.memory_space<hbm>>
    %dma_wait3A_391 = arith.constant 0 : i32
    %dma_wait3A_392 = arith.constant 0 : i32
    %dma_wait3A_393 = tpu.memref_slice %arg7[%dma_wait3A_376, %dma_wait3A_391, %dma_wait3A_392] : memref<4x64x128xf32, #tpu.memory_space<vmem>> -> memref<1x64x128xf32, #tpu.memory_space<vmem>>
    %dma_wait3A_394 = tpu.memref_squeeze %dma_wait3A_393 : memref<1x64x128xf32, #tpu.memory_space<vmem>> -> memref<64x128xf32, #tpu.memory_space<vmem>>
    tpu.wait_dma2 semaphore(%dma_wait3A_387 : memref<!tpu.dma_semaphore, #tpu.memory_space<semaphore_mem>>) src(%dma_wait3A_394 : memref<64x128xf32, #tpu.memory_space<vmem>>) dst(%dma_wait3A_390 : memref<64x128xf32, #tpu.memory_space<hbm>>)
    %dma_wait3A_395 = arith.constant 2 : i32
    %dma_wait3A_396 = arith.constant 2 : i32
    %dma_wait3A_397 = arith.constant 2 : i32
    %dma_wait3A_398 = arith.constant 0 : i32
    %dma_wait3A_399 = arith.constant 0 : i32
    %dma_wait3A_400 = tpu.memref_slice %arg7[%dma_wait3A_395, %dma_wait3A_398, %dma_wait3A_399] : memref<4x64x128xf32, #tpu.memory_space<vmem>> -> memref<1x64x128xf32, #tpu.memory_space<vmem>>
    %dma_wait3A_401 = tpu.memref_squeeze %dma_wait3A_400 : memref<1x64x128xf32, #tpu.memory_space<vmem>> -> memref<64x128xf32, #tpu.memory_space<vmem>>
    %dma_wait3A_402 = arith.constant 0 : i32
    %dma_wait3A_403 = tpu.memref_slice %arg5[%dma_wait3A_396, %mul3A_2, %dma_wait3A_402] : memref<4x2048x128xf32, #tpu.memory_space<hbm>> -> memref<1x64x128xf32, #tpu.memory_space<hbm>>
    %dma_wait3A_404 = tpu.memref_squeeze %dma_wait3A_403 : memref<1x64x128xf32, #tpu.memory_space<hbm>> -> memref<64x128xf32, #tpu.memory_space<hbm>>
    %dma_wait3A_405 = tpu.memref_slice %arg11[%dma_wait3A_397] : memref<4x!tpu.dma_semaphore, #tpu.memory_space<semaphore_mem>> -> memref<1x!tpu.dma_semaphore, #tpu.memory_space<semaphore_mem>>
    %dma_wait3A_406 = tpu.memref_squeeze %dma_wait3A_405 : memref<1x!tpu.dma_semaphore, #tpu.memory_space<semaphore_mem>> -> memref<!tpu.dma_semaphore, #tpu.memory_space<semaphore_mem>>
    %dma_wait3A_407 = arith.constant 0 : i32
    %dma_wait3A_408 = tpu.memref_slice %arg5[%dma_wait3A_396, %mul3A_2, %dma_wait3A_407] : memref<4x2048x128xf32, #tpu.memory_space<hbm>> -> memref<1x64x128xf32, #tpu.memory_space<hbm>>
    %dma_wait3A_409 = tpu.memref_squeeze %dma_wait3A_408 : memref<1x64x128xf32, #tpu.memory_space<hbm>> -> memref<64x128xf32, #tpu.memory_space<hbm>>
    %dma_wait3A_410 = arith.constant 0 : i32
    %dma_wait3A_411 = arith.constant 0 : i32
    %dma_wait3A_412 = tpu.memref_slice %arg7[%dma_wait3A_395, %dma_wait3A_410, %dma_wait3A_411] : memref<4x64x128xf32, #tpu.memory_space<vmem>> -> memref<1x64x128xf32, #tpu.memory_space<vmem>>
    %dma_wait3A_413 = tpu.memref_squeeze %dma_wait3A_412 : memref<1x64x128xf32, #tpu.memory_space<vmem>> -> memref<64x128xf32, #tpu.memory_space<vmem>>
    tpu.wait_dma2 semaphore(%dma_wait3A_406 : memref<!tpu.dma_semaphore, #tpu.memory_space<semaphore_mem>>) src(%dma_wait3A_413 : memref<64x128xf32, #tpu.memory_space<vmem>>) dst(%dma_wait3A_409 : memref<64x128xf32, #tpu.memory_space<hbm>>)
    %dma_wait3A_414 = arith.constant 3 : i32
    %dma_wait3A_415 = arith.constant 3 : i32
    %dma_wait3A_416 = arith.constant 3 : i32
    %dma_wait3A_417 = arith.constant 0 : i32
    %dma_wait3A_418 = arith.constant 0 : i32
    %dma_wait3A_419 = tpu.memref_slice %arg7[%dma_wait3A_414, %dma_wait3A_417, %dma_wait3A_418] : memref<4x64x128xf32, #tpu.memory_space<vmem>> -> memref<1x32x128xf32, #tpu.memory_space<vmem>>
    %dma_wait3A_420 = tpu.memref_squeeze %dma_wait3A_419 : memref<1x32x128xf32, #tpu.memory_space<vmem>> -> memref<32x128xf32, #tpu.memory_space<vmem>>
    %dma_wait3A_421 = arith.constant 0 : i32
    %dma_wait3A_422 = tpu.memref_slice %arg5[%dma_wait3A_415, %mul3A_2, %dma_wait3A_421] : memref<4x2048x128xf32, #tpu.memory_space<hbm>> -> memref<1x32x128xf32, #tpu.memory_space<hbm>>
    %dma_wait3A_423 = tpu.memref_squeeze %dma_wait3A_422 : memref<1x32x128xf32, #tpu.memory_space<hbm>> -> memref<32x128xf32, #tpu.memory_space<hbm>>
    %dma_wait3A_424 = tpu.memref_slice %arg11[%dma_wait3A_416] : memref<4x!tpu.dma_semaphore, #tpu.memory_space<semaphore_mem>> -> memref<1x!tpu.dma_semaphore, #tpu.memory_space<semaphore_mem>>
    %dma_wait3A_425 = tpu.memref_squeeze %dma_wait3A_424 : memref<1x!tpu.dma_semaphore, #tpu.memory_space<semaphore_mem>> -> memref<!tpu.dma_semaphore, #tpu.memory_space<semaphore_mem>>
    %dma_wait3A_426 = arith.constant 0 : i32
    %dma_wait3A_427 = tpu.memref_slice %arg5[%dma_wait3A_415, %mul3A_2, %dma_wait3A_426] : memref<4x2048x128xf32, #tpu.memory_space<hbm>> -> memref<1x32x128xf32, #tpu.memory_space<hbm>>
    %dma_wait3A_428 = tpu.memref_squeeze %dma_wait3A_427 : memref<1x32x128xf32, #tpu.memory_space<hbm>> -> memref<32x128xf32, #tpu.memory_space<hbm>>
    %dma_wait3A_429 = arith.constant 0 : i32
    %dma_wait3A_430 = arith.constant 0 : i32
    %dma_wait3A_431 = tpu.memref_slice %arg7[%dma_wait3A_414, %dma_wait3A_429, %dma_wait3A_430] : memref<4x64x128xf32, #tpu.memory_space<vmem>> -> memref<1x32x128xf32, #tpu.memory_space<vmem>>
    %dma_wait3A_432 = tpu.memref_squeeze %dma_wait3A_431 : memref<1x32x128xf32, #tpu.memory_space<vmem>> -> memref<32x128xf32, #tpu.memory_space<vmem>>
    tpu.wait_dma2 semaphore(%dma_wait3A_425 : memref<!tpu.dma_semaphore, #tpu.memory_space<semaphore_mem>>) src(%dma_wait3A_432 : memref<32x128xf32, #tpu.memory_space<vmem>>) dst(%dma_wait3A_428 : memref<32x128xf32, #tpu.memory_space<hbm>>)
    %dma_wait3A_433 = arith.constant 3 : i32
    %dma_wait3A_434 = arith.constant 3 : i32
    %dma_wait3A_435 = arith.constant 32 : i32
    %dma_wait3A_436 = arith.constant 0 : i32
    %dma_wait3A_437 = tpu.memref_slice %arg7[%dma_wait3A_433, %dma_wait3A_435, %dma_wait3A_436] : memref<4x64x128xf32, #tpu.memory_space<vmem>> -> memref<1x32x128xf32, #tpu.memory_space<vmem>>
    %dma_wait3A_438 = tpu.memref_squeeze %dma_wait3A_437 : memref<1x32x128xf32, #tpu.memory_space<vmem>> -> memref<32x128xf32, #tpu.memory_space<vmem>>
    %dma_wait3A_439 = arith.constant 0 : i32
    %dma_wait3A_440 = tpu.memref_slice %arg5[%dma_wait3A_434, %add3A_340, %dma_wait3A_439] : memref<4x2048x128xf32, #tpu.memory_space<hbm>> -> memref<1x32x128xf32, #tpu.memory_space<hbm>>
    %dma_wait3A_441 = tpu.memref_squeeze %dma_wait3A_440 : memref<1x32x128xf32, #tpu.memory_space<hbm>> -> memref<32x128xf32, #tpu.memory_space<hbm>>
    %dma_wait3A_442 = arith.constant 0 : i32
    %dma_wait3A_443 = tpu.memref_slice %arg5[%dma_wait3A_434, %add3A_340, %dma_wait3A_442] : memref<4x2048x128xf32, #tpu.memory_space<hbm>> -> memref<1x32x128xf32, #tpu.memory_space<hbm>>
    %dma_wait3A_444 = tpu.memref_squeeze %dma_wait3A_443 : memref<1x32x128xf32, #tpu.memory_space<hbm>> -> memref<32x128xf32, #tpu.memory_space<hbm>>
    %dma_wait3A_445 = arith.constant 32 : i32
    %dma_wait3A_446 = arith.constant 0 : i32
    %dma_wait3A_447 = tpu.memref_slice %arg7[%dma_wait3A_433, %dma_wait3A_445, %dma_wait3A_446] : memref<4x64x128xf32, #tpu.memory_space<vmem>> -> memref<1x32x128xf32, #tpu.memory_space<vmem>>
    %dma_wait3A_448 = tpu.memref_squeeze %dma_wait3A_447 : memref<1x32x128xf32, #tpu.memory_space<vmem>> -> memref<32x128xf32, #tpu.memory_space<vmem>>
    tpu.wait_dma2 semaphore(%arg9 : memref<!tpu.dma_semaphore, #tpu.memory_space<semaphore_mem>>) src(%dma_wait3A_448 : memref<32x128xf32, #tpu.memory_space<vmem>>) dst(%dma_wait3A_444 : memref<32x128xf32, #tpu.memory_space<hbm>>)
    return
  }
}

</mosaic_0001>

<sc_bundles>
// kernel: kernel.3.cloned.1.call-start
scs
__scs_entry_jumppad:
0x0: {  	(pc) =	sbr.rel $0x88, $3  }
0x1: {  	(tag) =	ssettag $0x0;
	lr =	simm.s32 $0x1  }
0x2: {  	[smem:$0x3F9E] =	sst lr;
	_ =	strace $0xD0000000  }
0x3: {  	_ = 	snop  }
0x4: {  	_ = 	snop  }
0x5: {  	_ = 	snop  }
0x6: {  	_ = 	snop  }
0x7: {  	_ = 	snop  }
__scs_overlays_trampoline_lowered:
0x8: {  	[smem:$0x3FAD] =	sst s0  }
0x9: {  	[smem:$0x3FAE] =	sst s1  }
0xa: {  	[smem:$0x3FAF] =	sst s2  }
0xb: {  	[smem:$0x3FB0] =	sst s3  }
0xc: {  	[smem:$0x3FB1] =	sst s4  }
0xd: {  	[smem:$0x3FB2] =	sst s5  }
0xe: {  	[smem:$0x3FB3] =	sst s6  }
0xf: {  	[smem:$0x3FB4] =	sst s7  }
0x10: {  	[smem:$0x3FB5] =	sst s8  }
0x11: {  	[smem:$0x3FB6] =	sst s9;
	s0 =	simm.s32 @!p0 $0x0  }
0x12: {  	s1 =	sld [smem:$0x3F9C];
	s0 =	simm.s32 @p0 $0x1  }
0x13: {  	[smem:$0x3FB7] =	sst s0;
	s0 =	simm.s32 @!p1 $0x0  }
0x14: {  	s2 =	sld [smem:$0x3F9B];
	s0 =	simm.s32 @p1 $0x1  }
0x15: {  	[smem:$0x3FB8] =	sst s0;
	s0 =	simm.s32 @!p2 $0x0  }
0x16: {  	s3 =	sld [smem:$0x3FDB];
	s0 =	simm.s32 @p2 $0x1  }
0x17: {  	s4 =	simm.s32 $0x1BF5;
	[smem:$0x3FBA] =	sst s0  }
0x18: {  	s0 =	sld [smem:$0x3F9D];
	_ =	swait.ge [sflag:s4], $0x0  }
0x19: {  	s7 =	sld [smem:$0x3F9E]  }
0x1a: {  	s8 =	sadd.s32 $0xFFFFE003, lr  }
0x1b: {  	s9 =	sadd.s32 $0xFFFFFEF7, lr;
	s5 =	simm.s32 $0xFFFFFFFF;
	p2 =	slt.u32 s8, $0xFFFFF086  }
0x1c: {  	p1 =	slt.u32 s9, $0xF7A;
	s5 =	simm.s32 @!p2 $0x0  }
0x1d: {  	s5 =	simm.s32 @p1 $0x1;
	p0 =	seq.s32 s7, s2  }
0x1e: {  	s7 =	smul.u32 @!p0 $0xF7A, s2;
	p2 =	seq.s32 @!p0 s5, $0x0  }
0x1f: {  	s9 =	smul.u32 $0xF7A, s1;
	s8 =	simm.s32 @!p0 $0x1BF5;
	p2 =	por !p2, p0  }
0x20: {  	[sflag:s8] =	ssyncset.s32 @!p0 $0xFFFFF086;
	s6 =	sadd.s32 @!p0 s3, s7;
	s7 =	simm.s32 @!p0 $0x108  }
0x21: {  	s3 =	sadd.s32 s3, s9;
	s6 =	sadd.s32 @!p0 $0x88, s6;
	s7 =	simm.s32 @p2 $0x1082  }
0x22: {  	[simem:s7], [sflag:s8] =	dma.local @!p0 [hbm:s6], $0xF7A  }
0x23: {  	s9 =	sor.u32 $0xD0000000, s2;
	s6 =	simm.s32 $0x108;
	_ =	swait.ge @!p0 [sflag:s8], $0x0  }
0x24: {  	s3 =	sadd.s32 $0x88, s3;
	s6 =	simm.s32 @!p1 $0x1082;
	[sflag:s4] =	ssyncset.s32 $0xFFFFF086  }
0x25: {  	[simem:s6], [sflag:s4] =	dma.local [hbm:s3], $0xF7A  }
0x26: {  	[smem:$0x3F9E] =	sst s1;
	(tag) =	ssettag s2;
	_ =	strace s9  }
0x27: {  	s1 =	sld [smem:$0x3FAE]  }
0x28: {  	s2 =	sld [smem:$0x3FAF]  }
0x29: {  	s4 =	sld [smem:$0x3FB1]  }
0x2a: {  	p0 =	seq.s32 s5, $0x0;
	s5 =	sld [smem:$0x3FB2]  }
0x2b: {  	s6 =	sld [smem:$0x3FB3]  }
0x2c: {  	s7 =	sld [smem:$0x3FB4]  }
0x2d: {  	s3 =	simm.s32 $0x108;
	s8 =	sld [smem:$0x3FB5]  }
0x2e: {  	s3 =	simm.s32 @!p0 $0x1082;
	s9 =	sld [smem:$0x3FB6]  }
0x2f: {  	lr =	sadd.s32 s0, s3;
	s0 =	sld [smem:$0x3FAD]  }
0x30: {  	s3 =	sld [smem:$0x3FB0]  }
0x31: {  	[smem:$0x3FB9] =	sst s10  }
0x32: {  	s10 =	sld [smem:$0x3FB7];
	_ =	sdelay $0x3  }
0x33: {  	p0 =	seq.s32 s10, $0x1;
	s10 =	sld [smem:$0x3FB9];
	_ =	sdelay $0x3  }
0x34: {  	[smem:$0x3FB9] =	sst s10  }
0x35: {  	s10 =	sld [smem:$0x3FB8];
	_ =	sdelay $0x3  }
0x36: {  	p1 =	seq.s32 s10, $0x1;
	s10 =	sld [smem:$0x3FB9];
	_ =	sdelay $0x3  }
0x37: {  	[smem:$0x3FB9] =	sst s10  }
0x38: {  	s10 =	sld [smem:$0x3FBA]  }
0x39: {  	_ = 	snop;
	(pc) =	sbr.ind lr, $3  }
0x3a: {  	_ = 	snop  }
0x3b: {  	_ = 	snop  }
0x3c: {  	p2 =	seq.s32 s10, $0x1;
	s10 =	sld [smem:$0x3FB9]  }
0x3d: {  	_ =	shalt  }
0x3e: {  	_ =	shalt  }
0x3f: {  	_ =	shalt  }
0x40: {  	_ =	shalt  }
0x41: {  	_ =	shalt  }
0x42: {  	_ =	shalt  }
0x43: {  	_ =	shalt  }
0x44: {  	_ =	shalt  }
0x45: {  	_ =	shalt  }
0x46: {  	_ =	shalt  }
0x47: {  	_ =	shalt  }
0x48: {  	_ =	shalt  }
0x49: {  	_ =	shalt  }
0x4a: {  	_ =	shalt  }
0x4b: {  	_ =	shalt  }
0x4c: {  	_ =	shalt  }
0x4d: {  	_ =	shalt  }
0x4e: {  	_ =	shalt  }
0x4f: {  	_ =	shalt  }
0x50: {  	_ =	shalt  }
0x51: {  	_ =	shalt  }
0x52: {  	_ =	shalt  }
0x53: {  	_ =	shalt  }
0x54: {  	_ =	shalt  }
0x55: {  	_ =	shalt  }
0x56: {  	_ =	shalt  }
0x57: {  	_ =	shalt  }
0x58: {  	_ =	shalt  }
0x59: {  	_ =	shalt  }
0x5a: {  	_ =	shalt  }
0x5b: {  	_ =	shalt  }
0x5c: {  	_ =	shalt  }
0x5d: {  	_ =	shalt  }
0x5e: {  	_ =	shalt  }
0x5f: {  	_ =	shalt  }
0x60: {  	_ =	shalt  }
0x61: {  	_ =	shalt  }
0x62: {  	_ =	shalt  }
0x63: {  	_ =	shalt  }
0x64: {  	_ =	shalt  }
0x65: {  	_ =	shalt  }
0x66: {  	_ =	shalt  }
0x67: {  	_ =	shalt  }
0x68: {  	_ =	shalt  }
0x69: {  	_ =	shalt  }
0x6a: {  	_ =	shalt  }
0x6b: {  	_ =	shalt  }
0x6c: {  	_ =	shalt  }
0x6d: {  	_ =	shalt  }
0x6e: {  	_ =	shalt  }
0x6f: {  	_ =	shalt  }
0x70: {  	_ =	shalt  }
0x71: {  	_ =	shalt  }
0x72: {  	_ =	shalt  }
0x73: {  	_ =	shalt  }
0x74: {  	_ =	shalt  }
0x75: {  	_ =	shalt  }
0x76: {  	_ =	shalt  }
0x77: {  	_ =	shalt  }
0x78: {  	_ =	shalt  }
0x79: {  	_ =	shalt  }
0x7a: {  	_ =	shalt  }
0x7b: {  	_ =	shalt  }
0x7c: {  	_ =	shalt  }
0x7d: {  	_ =	shalt  }
0x7e: {  	_ =	shalt  }
0x7f: {  	_ =	shalt  }
0x80: {  	_ =	shalt  }
0x81: {  	_ =	shalt  }
0x82: {  	_ =	shalt  }
0x83: {  	_ =	shalt  }
0x84: {  	_ =	shalt  }
0x85: {  	_ =	shalt  }
0x86: {  	_ =	shalt  }
0x87: {  	_ =	shalt  }
.Lfunc_end0:
.L_simem_size_0:
called_computation_lowered:
.L_overlay_start_0:
0x88: {  	s2 =	sld [smem:$0x3FD9]  }
0x89: {  	s3 =	sld [smem:$0x3FFE];
	_ =	sdelay $0x1  }
0x8a: {  	s1 =	srdreg.scid  }
0x8b: {  	s0 =	sand.u32 $0x1, s1  }
0x8c: {  	s18 =	sshll.u32 s0, $0xA;
	s2 =	sadd.s32 s3, s2  }
0x8d: {  	s2 =	sadd.s32 s2, s18  }
0x8e: {  	[smem:$0x3FC5] =	sst s2  }
0x8f: {  	_ = 	snop  }
0x90: {  	s2 =	sld [smem:$0x3FC9]  }
0x91: {  	s19 =	sld [smem:$0x3FC8]  }
0x92: {  	s4 =	sld [smem:$0x3FC7]  }
0x93: {  	s5 =	sld [smem:$0x3FD0];
	(tm) =	ssettm $0x1  }
0x94: {  	s6 =	sld [smem:$0x3FFB];
	_ =	sdelay $0x3  }
0x95: {  	_ =	strace s6  }
0x96: {  	s6 =	sld [smem:$0x3FFC];
	_ =	sdelay $0x3  }
0x97: {  	_ =	strace s6  }
0x98: {  	s6 =	sld [smem:$0x3FFD];
	_ =	sdelay $0x3  }
0x99: {  	_ =	strace s6  }
0x9a: {  	_ =	strace $0x8FFFFFFF  }
0x9b: {  	s20 =	sld [smem:$0x3FDB];
	_ =	sdelay $0x1  }
0x9c: {  	s7 =	simm.s32 $_scs_section_size  }
0x9d: {  	s8 =	simm.s32 $_size__tile_overlayer_lowered;
	s9 =	simm.s32 $_tile_overlayer_lowered  }
0x9e: {  	s23 =	simm.s32 $0x1BFF;
	s22 =	sshll.u32 s9, $0x1;
	s6 =	sadd.s32 s7, s20  }
0x9f: {  	s10 =	simm.s32 $0x0;
	s21 =	sshll.u32 s8, $0x1;
	s8 =	sadd.s32 s22, s6  }
0xa0: {  	[timem:s10], [sflag:s23] =	dma.local [hbm:s8], s21  }
0xa1: {  	_ =	swait.ge [sflag:s23], s21  }
0xa2: {  	s7 =	ssub.s32 $0x0, s21;
	[sflag:s23] =	ssyncset.done $0x0  }
0xa3: {  	[sflag:s23] =	ssyncadd.s32 s7;
	_ =	sdelay $0x1  }
0xa4: {  	s24 =	simm.s32 $0x1B8B  }
0xa5: {  	_ =	swait.ge [sflag:s24], $0x1  }
0xa6: {  	[sflag:s24] =	ssyncset.done $0x0  }
0xa7: {  	s25 =	simm.s32 $0x1B8E;
	[sflag:s24] =	ssyncadd.s32 $0xFFFFFFFF  }
0xa8: {  	s26 =	simm.s32 $execute0_lowered;
	[smem:$0x3FD2] =	sst s25  }
0xa9: {  	s7 =	sshll.u32 s26, $0x1;
	_ =	strace $0x80000046;
	[dreg:$0x1] =	wrdreg $0xFFFFFFFF  }
0xaa: {  	s28 =	simm.s32 $_size_execute0_lowered;
	s6 =	sadd.s32 s6, s7;
	[dreg:$0x0] =	wrdreg $0x0  }
0xab: {  	s7 =	sshll.u32 s28, $0x1;
	[dreg:$0x2] =	wrdreg s6  }
0xac: {  	[dreg:$0x3] =	wrdreg s7  }
0xad: {  	[dreg:$0x4] =	wrdreg $0xC0  }
0xae: {  	_ =	task [dreg:s10], $0x5FFFF  }
0xaf: {  	[dreg:$0x1] =	wrdreg $0xFFFFFFFF  }
0xb0: {  	[dreg:$0x0] =	wrdreg $0x60  }
0xb1: {  	[dreg:$0x2] =	wrdreg s2  }
0xb2: {  	[dreg:$0x3] =	wrdreg s19  }
0xb3: {  	[dreg:$0x4] =	wrdreg s4  }
0xb4: {  	[dreg:$0x5] =	wrdreg s5  }
0xb5: {  	[dreg:$0x6] =	wrdreg $0x9  }
0xb6: {  	_ =	task.clear_ibuf [dreg:s10], $0x7FFFF;
	_ =	strace $0x90000046  }
0xb7: {  	s29 =	simm.s32 $0x9;
	_ =	strace $0x80000048  }
0xb8: {  	_ =	swait.ge [sflag:s29], $0x1  }
0xb9: {  	[sflag:s29] =	ssyncadd.s32 $0xFFFFFFFF  }
0xba: {  	_ =	strace $0x90000048  }
0xbb: {  	_ =	sfence  }
0xbc: {  	s30 =	sld [smem:$0x0];
	_ =	sdelay $0x2  }
0xbd: {  	s31 =	sshll.u32 s1, $0xD;
	s1 =	sshrl.u32 s1, $0x2  }
0xbe: {  	s3 =	sand.u32 $0x4000, s31;
	s1 =	sadd.s32 s1, s30  }
0xbf: {  	s0 =	sor.u32 s3, s0;
	s1 =	sshll.u32 s1, $0x11  }
0xc0: {  	s0 =	sor.u32 s1, s0  }
0xc1: {  	s0 =	sadd.s32 $0x8F2B, s0  }
0xc2: {  	[sflag:s0] =	ssyncadd.remote.s32 $0x1  }
0xc3: {  	_ =	sfence.sel $0xFFFF  }
0xc4: {  	[dreg:$0x0] =	wrdreg $0xFFFFFFFF;
	(pc) =	sbr.abs _section_cstart, $3  }
0xc5: {  	[dreg:$0x1] =	wrdreg $0xFFFFFFFF  }
0xc6: {  	_ =	task.clear_ibuf [dreg:s10], $0x2FFFF;
	_ =	strace $0x9FFFFFFF  }
0xc7: {  	(tm) =	ssettm $0x7FFFFFFF  }
tec
execute0_lowered:
.L_overlay_start_1:
0x0: {  	(tag) =	ssettag $0x1  }
0x1: {  	s0 =	rddreg [dreg:$0x0]  }
0x2: {  	s2 =	srdreg.scid;
	s1 =	rddreg [dreg:$0x1]  }
0x3: {  	s3 =	stileid.u32;
	s5 =	rddreg [dreg:$0x2]  }
0x4: {  	s6 =	rddreg [dreg:$0x3];
	s15 =	simm.s32 $0x80;
	s16 =	simm.s32 $0x100  }
0x5: {  	s17 =	simm.s32 $0x180;
	s19 =	simm.s32 $0x6;
	s20 =	simm.s32 $0x40  }
0x6: {  	s21 =	simm.s32 $0x200;
	s22 =	simm.s32 $0x7;
	s23 =	simm.s32 $0x2200  }
0x7: {  	s28 =	simm.s32 $0x6200;
	s29 =	simm.s32 $0x1;
	s30 =	simm.s32 $0x2  }
0x8: {  	s31 =	simm.s32 $0x3;
	s18 =	simm.s32 $0x0;
	s2 =	sand.u32 $0x1, s2  }
0x9: {  	s3 =	sshll.u32 s3, $0x7;
	s4 =	sshll.u32 s2, $0x6;
	s2 =	ssub.s32 $0x2, s2  }
0xa: {  	s7 =	sor.u32 s4, s3;
	s3 =	simm.s32 $0x0;
	s10 =	sshrl.u32 s2, $0x1  }
0xb: {  	s8 =	sshll.u32 s7, $0x2;
	[smem:$0x7FF] =	sst s3;
	s2 =	ssub.s32 s2, s10  }
0xc: {  	s25 =	sshll.u32 s7, $0x4;
	s9 =	sand.u32 $0x1E00, s8;
	_ =	strace $0x80000047  }
0xd: {  	s8 =	sor.u32 s4, s8;
	s7 =	sadd.s32 s6, s25;
	s14 =	smax.u32 s2, $0x1  }
0xe: {  	s2 =	simm.s32 $0x4;
	s9 =	sor.u32 s4, s9;
	s8 =	sshrl.u32 s8, $0x3  }
0xf: {  	s10 =	sadd.s32 $0x8000, s7;
	s11 =	sadd.s32 $0x10000, s7;
	s12 =	sadd.s32 $0x18000, s7  }
0x10: {  	s13 =	sadd.s32 $0x18200, s7;
	s9 =	sshrl.u32 s9, $0x3;
	s24 =	sor.u32 $0x20, s8  }
0x11: {  	s8 =	sor.u32 $0x30, s8;
	s4 =	sadd.s32 s0, s9;
	s26 =	sadd.s32 s0, s24  }
0x12: {  	s8 =	sadd.s32 s0, s8;
	s24 =	simm.s32 $0x8;
	s0 =	simm.s32 $0x5  }
0x13: {  	s9 =	sadd.s32 $0x10, s4;
	[dreg:$0x6] =	wrdreg s26;
	s26 =	simm.s32 $0x9  }
0x14: {  	[dreg:$0x5] =	wrdreg s9;
	s9 =	sadd.s32 s5, s25;
	s25 =	simm.s32 $0x4200  }
.LBB2_1:
0x15: {  	[tilespmem:s3], [sflag:$0x6] =	stream.linear.gather [hbm4b:s4+s3], $0x40, $0x38;
	[tilespmem:$0xA200] =	vst v63  }
0x16: {  	s5 =	rddreg [dreg:$0x5]  }
0x17: {  	[tilespmem:s15], [sflag:$0x7] =	stream.linear.gather [hbm4b:s5+s3], $0x40, $0x38;
	[tilespmem:$0xA200] =	vst v63  }
0x18: {  	s6 =	rddreg [dreg:$0x6]  }
0x19: {  	[tilespmem:s16], [sflag:$0x8] =	stream.linear.gather [hbm4b:s6+s3], $0x40, $0x38;
	[tilespmem:$0xA200] =	vst v63  }
0x1a: {  	_ = 	snop  }
0x1b: {  	[tilespmem:s17], [sflag:$0x9] =	stream.linear.gather [hbm4b:s8+s3], $0x40, $0x38;
	[tilespmem:$0xA200] =	vst v63  }
0x1c: {  	s6 =	simm.s32 $0x8200  }
0x1d: {  	[tilespmem:s6], [sflag:$0x1] =	stream.linear.gather [hbm4b:s9+s3], $0x2000, $0x38;
	[tilespmem:$0xA200] =	vst v63  }
0x1e: {  	_ =	swait.ge [sflag:s19], $0x40  }
0x1f: {  	[sflag:s19] =	ssyncset.done $0x0  }
0x20: {  	[sflag:s19] =	ssyncadd.s32 $0xFFFFFFC0  }
0x21: {  	[tilespmem:s21], [sflag:$0x2] =	stream.indirect.gather [hbm4b:s1+s20], $0x80, s3, s20, $0xb8;
	[tilespmem:$0xA200] =	vst v63  }
0x22: {  	_ =	swait.ge [sflag:s22], $0x40  }
0x23: {  	[sflag:s22] =	ssyncset.done $0x0  }
0x24: {  	[sflag:s22] =	ssyncadd.s32 $0xFFFFFFC0  }
0x25: {  	[tilespmem:s23], [sflag:$0x3] =	stream.indirect.gather [hbm4b:s1+s20], $0x80, s15, s20, $0xb8;
	[tilespmem:$0xA200] =	vst v63  }
0x26: {  	_ =	swait.ge [sflag:s24], $0x40  }
0x27: {  	[sflag:s24] =	ssyncset.done $0x0  }
0x28: {  	[sflag:s24] =	ssyncadd.s32 $0xFFFFFFC0  }
0x29: {  	[tilespmem:s25], [sflag:$0x4] =	stream.indirect.gather [hbm4b:s1+s20], $0x80, s16, s20, $0xb8;
	[tilespmem:$0xA200] =	vst v63  }
0x2a: {  	_ =	swait.ge [sflag:s26], $0x40  }
0x2b: {  	[sflag:s26] =	ssyncset.done $0x0  }
0x2c: {  	[sflag:s26] =	ssyncadd.s32 $0xFFFFFFC0  }
0x2d: {  	[tilespmem:s28], [sflag:$0x5] =	stream.indirect.gather [hbm4b:s1+s20], $0x80, s17, s20, $0xb8;
	[tilespmem:$0xA200] =	vst v63  }
0x2e: {  	_ =	swait.ge [sflag:s29], $0x2000  }
0x2f: {  	[sflag:s29] =	ssyncset.done $0x0  }
0x30: {  	[sflag:s29] =	ssyncadd.s32 $0xFFFFE000  }
0x31: {  	_ =	swait.ge [sflag:s30], $0x2000  }
0x32: {  	[sflag:s30] =	ssyncset.done $0x0  }
0x33: {  	s5 =	simm.s32 $0x0;
	s6 =	simm.s32 $0x200;
	[sflag:s30] =	ssyncadd.s32 $0xFFFFE000  }
.LBB2_2:
0x34: {  	p0 =	sne.s32 s6, $0x7E00;
	v0 =	vld [tilespmem:s5+$0x8270]  }
0x35: {  	v1 =	vld [tilespmem:s5+$0x8200]  }
0x36: {  	v2 =	vld [tilespmem:s5+$0x8210]  }
0x37: {  	v3 =	vld [tilespmem:s5+$0x8220]  }
0x38: {  	v4 =	vld [tilespmem:s5+$0x8230]  }
0x39: {  	[tilespmem:s5+$0x270] =	vst.add.f32.msk $0xffff, v0  }
0x3a: {  	v0 =	vld [tilespmem:s5+$0x8240]  }
0x3b: {  	v5 =	vld [tilespmem:s5+$0x8250]  }
0x3c: {  	v6 =	vld [tilespmem:s5+$0x8260]  }
0x3d: {  	[tilespmem:s5+$0x200] =	vst.add.f32.msk $0xffff, v1  }
0x3e: {  	[tilespmem:s5+$0x210] =	vst.add.f32.msk $0xffff, v2  }
.Ltmp0:
0x3f: {  	[tilespmem:s5+$0x220] =	vst.add.f32.msk $0xffff, v3;
	(pc) =	sbr.rel @p0 .LBB2_2-.Ltmp0, $4  }
0x40: {  	[tilespmem:s5+$0x230] =	vst.add.f32.msk $0xffff, v4  }
0x41: {  	[tilespmem:s5+$0x240] =	vst.add.f32.msk $0xffff, v0  }
0x42: {  	[tilespmem:s5+$0x250] =	vst.add.f32.msk $0xffff, v5  }
0x43: {  	[tilespmem:s5+$0x260] =	vst.add.f32.msk $0xffff, v6;
	s5 =	sshra.s32 s6, $0x2;
	s6 =	sadd.s32 $0x200, s6  }
0x44: {  	v0 =	vld [tilespmem:s5+$0x8270]  }
0x45: {  	v1 =	vld [tilespmem:s5+$0x8200]  }
0x46: {  	v2 =	vld [tilespmem:s5+$0x8210]  }
0x47: {  	v3 =	vld [tilespmem:s5+$0x8220]  }
0x48: {  	v4 =	vld [tilespmem:s5+$0x8230]  }
0x49: {  	v63 =	vld [tilespmem:s5+$0x8240]  }
0x4a: {  	v5 =	vld [tilespmem:s5+$0x8250]  }
0x4b: {  	v6 =	vld [tilespmem:s5+$0x8260]  }
0x4c: {  	[tilespmem:s5+$0x270] =	vst.add.f32.msk $0xffff, v0  }
0x4d: {  	[tilespmem:s5+$0x200] =	vst.add.f32.msk $0xffff, v1  }
0x4e: {  	[tilespmem:s5+$0x210] =	vst.add.f32.msk $0xffff, v2  }
0x4f: {  	[tilespmem:s5+$0x220] =	vst.add.f32.msk $0xffff, v3  }
0x50: {  	[tilespmem:s5+$0x230] =	vst.add.f32.msk $0xffff, v4  }
0x51: {  	[tilespmem:s5+$0x240] =	vst.add.f32.msk $0xffff, v63  }
0x52: {  	[tilespmem:s5+$0x250] =	vst.add.f32.msk $0xffff, v5  }
0x53: {  	s6 =	simm.s32 $0x0;
	[tilespmem:s5+$0x260] =	vst.add.f32.msk $0xffff, v6  }
0x54: {  	[hbm4b:s7+s6] =	stream.linear.scatter [tilespmem:s21], [sflag:$0x6], $0x2000, $0x38;
	[tilespmem:$0xA200] =	vst v63  }
0x55: {  	_ =	swait.ge [sflag:s31], $0x2000  }
0x56: {  	[sflag:s31] =	ssyncset.done $0x0  }
0x57: {  	s5 =	simm.s32 $0x0;
	s6 =	simm.s32 $0x200;
	[sflag:s31] =	ssyncadd.s32 $0xFFFFE000  }
.LBB2_4:
0x58: {  	p0 =	sne.s32 s6, $0x7E00;
	v0 =	vld [tilespmem:s5+$0x8270]  }
0x59: {  	v1 =	vld [tilespmem:s5+$0x8200]  }
0x5a: {  	v2 =	vld [tilespmem:s5+$0x8210]  }
0x5b: {  	v3 =	vld [tilespmem:s5+$0x8220]  }
0x5c: {  	v4 =	vld [tilespmem:s5+$0x8230]  }
0x5d: {  	[tilespmem:s5+$0x2270] =	vst.add.f32.msk $0xffff, v0  }
0x5e: {  	v0 =	vld [tilespmem:s5+$0x8240]  }
0x5f: {  	v5 =	vld [tilespmem:s5+$0x8250]  }
0x60: {  	v6 =	vld [tilespmem:s5+$0x8260]  }
0x61: {  	[tilespmem:s5+$0x2200] =	vst.add.f32.msk $0xffff, v1  }
0x62: {  	[tilespmem:s5+$0x2210] =	vst.add.f32.msk $0xffff, v2  }
.Ltmp1:
0x63: {  	[tilespmem:s5+$0x2220] =	vst.add.f32.msk $0xffff, v3;
	(pc) =	sbr.rel @p0 .LBB2_4-.Ltmp1, $4  }
0x64: {  	[tilespmem:s5+$0x2230] =	vst.add.f32.msk $0xffff, v4  }
0x65: {  	[tilespmem:s5+$0x2240] =	vst.add.f32.msk $0xffff, v0  }
0x66: {  	[tilespmem:s5+$0x2250] =	vst.add.f32.msk $0xffff, v5  }
0x67: {  	[tilespmem:s5+$0x2260] =	vst.add.f32.msk $0xffff, v6;
	s5 =	sshra.s32 s6, $0x2;
	s6 =	sadd.s32 $0x200, s6  }
0x68: {  	v0 =	vld [tilespmem:s5+$0x8270]  }
0x69: {  	v1 =	vld [tilespmem:s5+$0x8200]  }
0x6a: {  	v2 =	vld [tilespmem:s5+$0x8210]  }
0x6b: {  	v3 =	vld [tilespmem:s5+$0x8220]  }
0x6c: {  	v4 =	vld [tilespmem:s5+$0x8230]  }
0x6d: {  	v63 =	vld [tilespmem:s5+$0x8240]  }
0x6e: {  	v5 =	vld [tilespmem:s5+$0x8250]  }
0x6f: {  	v6 =	vld [tilespmem:s5+$0x8260]  }
0x70: {  	[tilespmem:s5+$0x2270] =	vst.add.f32.msk $0xffff, v0  }
0x71: {  	[tilespmem:s5+$0x2200] =	vst.add.f32.msk $0xffff, v1  }
0x72: {  	[tilespmem:s5+$0x2210] =	vst.add.f32.msk $0xffff, v2  }
0x73: {  	[tilespmem:s5+$0x2220] =	vst.add.f32.msk $0xffff, v3  }
0x74: {  	[tilespmem:s5+$0x2230] =	vst.add.f32.msk $0xffff, v4  }
0x75: {  	[tilespmem:s5+$0x2240] =	vst.add.f32.msk $0xffff, v63  }
0x76: {  	[tilespmem:s5+$0x2250] =	vst.add.f32.msk $0xffff, v5  }
0x77: {  	s6 =	simm.s32 $0x0;
	[tilespmem:s5+$0x2260] =	vst.add.f32.msk $0xffff, v6  }
0x78: {  	[hbm4b:s10+s6] =	stream.linear.scatter [tilespmem:s23], [sflag:$0x7], $0x2000, $0x38;
	[tilespmem:$0xA200] =	vst v63  }
0x79: {  	_ =	swait.ge [sflag:s2], $0x2000  }
0x7a: {  	[sflag:s2] =	ssyncset.done $0x0  }
0x7b: {  	s5 =	simm.s32 $0x0;
	s6 =	simm.s32 $0x200;
	[sflag:s2] =	ssyncadd.s32 $0xFFFFE000  }
.LBB2_6:
0x7c: {  	p0 =	sne.s32 s6, $0x7E00;
	v0 =	vld [tilespmem:s5+$0x8270]  }
0x7d: {  	v1 =	vld [tilespmem:s5+$0x8200]  }
0x7e: {  	v2 =	vld [tilespmem:s5+$0x8210]  }
0x7f: {  	v3 =	vld [tilespmem:s5+$0x8220]  }
0x80: {  	v4 =	vld [tilespmem:s5+$0x8230]  }
0x81: {  	[tilespmem:s5+$0x4270] =	vst.add.f32.msk $0xffff, v0  }
0x82: {  	v0 =	vld [tilespmem:s5+$0x8240]  }
0x83: {  	v5 =	vld [tilespmem:s5+$0x8250]  }
0x84: {  	v6 =	vld [tilespmem:s5+$0x8260]  }
0x85: {  	[tilespmem:s5+$0x4200] =	vst.add.f32.msk $0xffff, v1  }
0x86: {  	[tilespmem:s5+$0x4210] =	vst.add.f32.msk $0xffff, v2  }
.Ltmp2:
0x87: {  	[tilespmem:s5+$0x4220] =	vst.add.f32.msk $0xffff, v3;
	(pc) =	sbr.rel @p0 .LBB2_6-.Ltmp2, $4  }
0x88: {  	[tilespmem:s5+$0x4230] =	vst.add.f32.msk $0xffff, v4  }
0x89: {  	[tilespmem:s5+$0x4240] =	vst.add.f32.msk $0xffff, v0  }
0x8a: {  	[tilespmem:s5+$0x4250] =	vst.add.f32.msk $0xffff, v5  }
0x8b: {  	[tilespmem:s5+$0x4260] =	vst.add.f32.msk $0xffff, v6;
	s5 =	sshra.s32 s6, $0x2;
	s6 =	sadd.s32 $0x200, s6  }
0x8c: {  	v0 =	vld [tilespmem:s5+$0x8270]  }
0x8d: {  	v1 =	vld [tilespmem:s5+$0x8200]  }
0x8e: {  	v2 =	vld [tilespmem:s5+$0x8210]  }
0x8f: {  	v3 =	vld [tilespmem:s5+$0x8220]  }
0x90: {  	v4 =	vld [tilespmem:s5+$0x8230]  }
0x91: {  	v63 =	vld [tilespmem:s5+$0x8240]  }
0x92: {  	v5 =	vld [tilespmem:s5+$0x8250]  }
0x93: {  	v6 =	vld [tilespmem:s5+$0x8260]  }
0x94: {  	[tilespmem:s5+$0x4270] =	vst.add.f32.msk $0xffff, v0  }
0x95: {  	[tilespmem:s5+$0x4200] =	vst.add.f32.msk $0xffff, v1  }
0x96: {  	[tilespmem:s5+$0x4210] =	vst.add.f32.msk $0xffff, v2  }
0x97: {  	[tilespmem:s5+$0x4220] =	vst.add.f32.msk $0xffff, v3  }
0x98: {  	[tilespmem:s5+$0x4230] =	vst.add.f32.msk $0xffff, v4  }
0x99: {  	[tilespmem:s5+$0x4240] =	vst.add.f32.msk $0xffff, v63  }
0x9a: {  	[tilespmem:s5+$0x4250] =	vst.add.f32.msk $0xffff, v5  }
0x9b: {  	s6 =	simm.s32 $0x0;
	[tilespmem:s5+$0x4260] =	vst.add.f32.msk $0xffff, v6  }
0x9c: {  	[hbm4b:s11+s6] =	stream.linear.scatter [tilespmem:s25], [sflag:$0x8], $0x2000, $0x38;
	[tilespmem:$0xA200] =	vst v63  }
0x9d: {  	_ =	swait.ge [sflag:s0], $0x2000  }
0x9e: {  	[sflag:s0] =	ssyncset.done $0x0  }
0x9f: {  	s5 =	simm.s32 $0x0;
	s6 =	simm.s32 $0x200;
	[sflag:s0] =	ssyncadd.s32 $0xFFFFE000  }
.LBB2_8:
0xa0: {  	p0 =	sne.s32 s6, $0x3E00;
	v0 =	vld [tilespmem:s5+$0x8270]  }
0xa1: {  	v1 =	vld [tilespmem:s5+$0x8200]  }
0xa2: {  	v2 =	vld [tilespmem:s5+$0x8210]  }
0xa3: {  	v3 =	vld [tilespmem:s5+$0x8220]  }
0xa4: {  	v4 =	vld [tilespmem:s5+$0x8230]  }
0xa5: {  	[tilespmem:s5+$0x6270] =	vst.add.f32.msk $0xffff, v0  }
0xa6: {  	v0 =	vld [tilespmem:s5+$0x8240]  }
0xa7: {  	v5 =	vld [tilespmem:s5+$0x8250]  }
0xa8: {  	v6 =	vld [tilespmem:s5+$0x8260]  }
0xa9: {  	[tilespmem:s5+$0x6200] =	vst.add.f32.msk $0xffff, v1  }
0xaa: {  	[tilespmem:s5+$0x6210] =	vst.add.f32.msk $0xffff, v2  }
.Ltmp3:
0xab: {  	[tilespmem:s5+$0x6220] =	vst.add.f32.msk $0xffff, v3;
	(pc) =	sbr.rel @p0 .LBB2_8-.Ltmp3, $4  }
0xac: {  	[tilespmem:s5+$0x6230] =	vst.add.f32.msk $0xffff, v4  }
0xad: {  	[tilespmem:s5+$0x6240] =	vst.add.f32.msk $0xffff, v0  }
0xae: {  	[tilespmem:s5+$0x6250] =	vst.add.f32.msk $0xffff, v5  }
0xaf: {  	[tilespmem:s5+$0x6260] =	vst.add.f32.msk $0xffff, v6;
	s5 =	sshra.s32 s6, $0x2;
	s6 =	sadd.s32 $0x200, s6  }
0xb0: {  	v0 =	vld [tilespmem:s5+$0x8270]  }
0xb1: {  	v1 =	vld [tilespmem:s5+$0x8200]  }
0xb2: {  	v2 =	vld [tilespmem:s5+$0x8210]  }
0xb3: {  	v3 =	vld [tilespmem:s5+$0x8220]  }
0xb4: {  	v4 =	vld [tilespmem:s5+$0x8230]  }
0xb5: {  	v63 =	vld [tilespmem:s5+$0x8240]  }
0xb6: {  	v5 =	vld [tilespmem:s5+$0x8250]  }
0xb7: {  	v6 =	vld [tilespmem:s5+$0x8260]  }
0xb8: {  	[tilespmem:s5+$0x6270] =	vst.add.f32.msk $0xffff, v0  }
0xb9: {  	[tilespmem:s5+$0x6200] =	vst.add.f32.msk $0xffff, v1  }
0xba: {  	[tilespmem:s5+$0x6210] =	vst.add.f32.msk $0xffff, v2  }
0xbb: {  	[tilespmem:s5+$0x6220] =	vst.add.f32.msk $0xffff, v3  }
0xbc: {  	[tilespmem:s5+$0x6230] =	vst.add.f32.msk $0xffff, v4  }
0xbd: {  	[tilespmem:s5+$0x6240] =	vst.add.f32.msk $0xffff, v63  }
0xbe: {  	[tilespmem:s5+$0x6250] =	vst.add.f32.msk $0xffff, v5  }
0xbf: {  	s6 =	simm.s32 $0x0;
	[tilespmem:s5+$0x6260] =	vst.add.f32.msk $0xffff, v6  }
0xc0: {  	[hbm4b:s12+s6] =	stream.linear.scatter [tilespmem:s28], [sflag:$0x9], $0x1000, $0x38;
	[tilespmem:$0xA200] =	vst v63  }
0xc1: {  	s5 =	simm.s32 $0x0;
	s6 =	simm.s32 $0x200  }
.LBB2_10:
0xc2: {  	p0 =	sne.s32 s6, $0x3E00;
	v0 =	vld [tilespmem:s5+$0x9270]  }
0xc3: {  	v1 =	vld [tilespmem:s5+$0x9200]  }
0xc4: {  	v2 =	vld [tilespmem:s5+$0x9210]  }
0xc5: {  	v3 =	vld [tilespmem:s5+$0x9220]  }
0xc6: {  	v4 =	vld [tilespmem:s5+$0x9230]  }
0xc7: {  	[tilespmem:s5+$0x7270] =	vst.add.f32.msk $0xffff, v0  }
0xc8: {  	v0 =	vld [tilespmem:s5+$0x9240]  }
0xc9: {  	v5 =	vld [tilespmem:s5+$0x9250]  }
0xca: {  	v6 =	vld [tilespmem:s5+$0x9260]  }
0xcb: {  	[tilespmem:s5+$0x7200] =	vst.add.f32.msk $0xffff, v1  }
0xcc: {  	[tilespmem:s5+$0x7210] =	vst.add.f32.msk $0xffff, v2  }
.Ltmp4:
0xcd: {  	[tilespmem:s5+$0x7220] =	vst.add.f32.msk $0xffff, v3;
	(pc) =	sbr.rel @p0 .LBB2_10-.Ltmp4, $4  }
0xce: {  	[tilespmem:s5+$0x7230] =	vst.add.f32.msk $0xffff, v4  }
0xcf: {  	[tilespmem:s5+$0x7240] =	vst.add.f32.msk $0xffff, v0  }
0xd0: {  	[tilespmem:s5+$0x7250] =	vst.add.f32.msk $0xffff, v5  }
0xd1: {  	[tilespmem:s5+$0x7260] =	vst.add.f32.msk $0xffff, v6;
	s5 =	sshra.s32 s6, $0x2;
	s6 =	sadd.s32 $0x200, s6  }
0xd2: {  	v0 =	vld [tilespmem:s5+$0x9270]  }
0xd3: {  	v1 =	vld [tilespmem:s5+$0x9200]  }
0xd4: {  	v2 =	vld [tilespmem:s5+$0x9210]  }
0xd5: {  	v3 =	vld [tilespmem:s5+$0x9220]  }
0xd6: {  	v4 =	vld [tilespmem:s5+$0x9230]  }
0xd7: {  	v63 =	vld [tilespmem:s5+$0x9240]  }
0xd8: {  	v5 =	vld [tilespmem:s5+$0x9250]  }
0xd9: {  	v6 =	vld [tilespmem:s5+$0x9260]  }
0xda: {  	[tilespmem:s5+$0x7270] =	vst.add.f32.msk $0xffff, v0  }
0xdb: {  	[tilespmem:s5+$0x7200] =	vst.add.f32.msk $0xffff, v1  }
0xdc: {  	[tilespmem:s5+$0x7210] =	vst.add.f32.msk $0xffff, v2  }
0xdd: {  	[tilespmem:s5+$0x7220] =	vst.add.f32.msk $0xffff, v3  }
0xde: {  	[tilespmem:s5+$0x7230] =	vst.add.f32.msk $0xffff, v4  }
0xdf: {  	[tilespmem:s5+$0x7240] =	vst.add.f32.msk $0xffff, v63  }
0xe0: {  	[tilespmem:s5+$0x7250] =	vst.add.f32.msk $0xffff, v5  }
0xe1: {  	s6 =	simm.s32 $0x7200;
	[tilespmem:s5+$0x7260] =	vst.add.f32.msk $0xffff, v6  }
0xe2: {  	[hbm4b:s13+s3] =	stream.linear.scatter [tilespmem:s6], [sflag:$0x1], $0x1000, $0x38;
	[tilespmem:$0xA200] =	vst v63  }
0xe3: {  	_ =	swait.ge [sflag:s19], $0x2000  }
0xe4: {  	[sflag:s19] =	ssyncset.done $0x0  }
0xe5: {  	[sflag:s19] =	ssyncadd.s32 $0xFFFFE000  }
0xe6: {  	_ =	swait.ge [sflag:s22], $0x2000  }
0xe7: {  	[sflag:s22] =	ssyncset.done $0x0  }
0xe8: {  	[sflag:s22] =	ssyncadd.s32 $0xFFFFE000  }
0xe9: {  	_ =	swait.ge [sflag:s24], $0x2000  }
0xea: {  	[sflag:s24] =	ssyncset.done $0x0  }
0xeb: {  	s18 =	sadd.s32 $0x1, s18;
	[sflag:s24] =	ssyncadd.s32 $0xFFFFE000  }
0xec: {  	p0 =	sne.s32 s18, s14;
	_ =	swait.ge [sflag:s26], $0x1000  }
.Ltmp5:
0xed: {  	[sflag:s26] =	ssyncset.done $0x0;
	(pc) =	sbr.rel @p0 .LBB2_1-.Ltmp5, $4  }
0xee: {  	[sflag:s26] =	ssyncadd.s32 $0xFFFFF000  }
0xef: {  	_ =	swait.ge [sflag:s29], $0x1000  }
0xf0: {  	[sflag:s29] =	ssyncset.done $0x0  }
0xf1: {  	[sflag:s29] =	ssyncadd.s32 $0xFFFFF000  }
0xf2: {  	_ =	sfence.sel $0x180000  }
0xf3: {  	[bflag:$0x0] =	sbarrier.arrive $0xFFFF  }
0xf4: {  	_ =	strace $0x90000047  }
0xf5: {  	s0 =	stileid.u32;
	[bflag:$0x2] =	sbarrier.arrive $0xFFFF  }
0xf6: {  	p0 =	sne.s32 s0, $0x0;
	s0 =	rddreg [dreg:$0x4]  }
0xf7: {  	s0 =	sadd.s32 @!p0 $0x100000, s0  }
0xf8: {  	[sflag:s0] =	ssyncadd.tile.s32 @!p0 $0x1;
	_ =	shalt  }
.Lfunc_end2:
_tile_overlayer_lowered:
.L_overlay_start_2:
0xf9: {  	(tag) =	ssettag $0x2  }
0xfa: {  	s0 =	rddreg [dreg:$0x0];
	s2 =	stileid.u32  }
0xfb: {  	s1 =	rddreg [dreg:$0x1];
	p0 =	sne.s32 s2, $0x0  }
0xfc: {  	s3 =	rddreg [dreg:$0x2];
	[bflag:$0x3] =	sbarrier.arrive $0xFFFF;
	s2 =	simm.s32 @!p0 $0x1C0A  }
0xfd: {  	[timem:s3], [sflag:s2] =	dma.local @!p0 [hbm:s0], s1  }
0xfe: {  	s0 =	simm.s32 @!p0 $0xA  }
0xff: {  	_ =	swait.ge @!p0 [sflag:s0], s1  }
0x100: {  	s1 =	ssub.s32 @!p0 $0x0, s1;
	[sflag:s0] =	ssyncset.done @!p0 $0x0  }
0x101: {  	[sflag:s0] =	ssyncadd.s32 @!p0 s1  }
0x102: {  	[bflag:$0x3] =	sbarrier.arrive $0xFFFF  }
0x103: {  	_ =	shalt  }

</sc_bundles>
